<compile_context>
chip_gen: v7x
topology: tpu7x:2x2x1
jax: 0.10.2.dev20260603
libtpu: 0.0.44.dev20260713+nightly
codegen_flags: <defaults>
</compile_context>

<pallas_src>
import functools

import jax
import jax.numpy as jnp
from jax import lax
from jax.experimental import pallas as pl
from jax.experimental.pallas import tpu as pltpu
from jax.experimental.pallas import tpu_sc as plsc

_LANES = 16
_C = 128


@functools.partial(jax.jit, static_argnums=(2,))
def _sc_gather(idx3, table, v_rows):
    info = plsc.get_sparse_core_info()
    nw = info.num_cores * info.num_subcores
    nc = info.num_cores
    half = table.shape[1]
    n_seq, two_nb, lanes = idx3.shape
    nb = two_nb // 2
    f_rows = 2 * n_seq
    per_w = (nb // nw) * lanes * f_rows
    total_rows = nb * lanes * f_rows
    assert nb % nw == 0 and lanes == _C and f_rows % 8 == 0

    hb = 2 * _C
    n_blk = per_w // hb
    n_slots = 3
    n_full = hb // _C
    tail = hb - n_full * _C
    assert per_w % hb == 0 and tail % 8 == 0

    mesh = plsc.VectorSubcoreMesh(core_axis_name="c", subcore_axis_name="s")

    @functools.partial(
        pl.kernel,
        mesh=mesh,
        out_type=jax.ShapeDtypeStruct((total_rows, half), jnp.float32),
        scratch_types=[
            pltpu.VMEM((n_seq, 2, _C), jnp.int32),
            pltpu.VMEM((n_slots, hb), jnp.int32),
            pltpu.VMEM((n_slots, hb, half), jnp.float32),
            [pltpu.SemaphoreType.DMA] * n_slots,
            [pltpu.SemaphoreType.DMA] * n_slots,
        ],
        compiler_params=pltpu.CompilerParams(
            use_tc_tiling_on_sc=False, needs_layout_passes=False),
    )
    def k(idx_hbm, table_hbm, out_hbm, idx_all, idx_perm, rows_v, gsem, ssem):
        wid = lax.axis_index("s") * nc + lax.axis_index("c")
        base = wid * per_w
        iota = lax.iota(jnp.int32, _LANES)
        p_vec = iota & 1
        offs = p_vec * jnp.int32(v_rows)

        pltpu.sync_copy(idx_hbm.at[:, pl.ds(wid * 2, 2), :], idx_all)

        def build(blk, slot):
            r0 = blk * hb

            def step(v, _):
                r_vec = r0 + v * _LANES + iota
                bl_vec = r_vec // jnp.int32(f_rows)
                n_vec = (r_vec - bl_vec * jnp.int32(f_rows)) >> 1
                vals = plsc.load_gather(idx_all, [n_vec, p_vec, bl_vec])
                idx_perm[slot, pl.ds(v * _LANES, _LANES)] = vals + offs
                return 0

            lax.fori_loop(0, hb // _LANES, step, 0)

        def descriptors(slot):
            cps = []
            for j in range(n_full):
                cps.append(pltpu.make_async_copy(
                    table_hbm.at[idx_perm.at[slot, pl.ds(j * _C, _C)]],
                    rows_v.at[slot, pl.ds(j * _C, _C)],
                    gsem[slot],
                ))
            if tail:
                cps.append(pltpu.make_async_copy(
                    table_hbm.at[idx_perm.at[slot, pl.ds(n_full * _C, tail)]],
                    rows_v.at[slot, pl.ds(n_full * _C, tail)],
                    gsem[slot],
                ))
            return cps

        def fire(slot):
            for c in descriptors(slot):
                c.start()

        def wait_gathers(slot):
            for c in descriptors(slot):
                c.wait()

        def scatter_desc(slot, blk):
            return pltpu.make_async_copy(
                rows_v.at[slot],
                out_hbm.at[pl.ds(base + blk * hb, hb)],
                ssem[slot],
            )

        for s in range(n_slots):
            build(s, s)
            fire(s)

        def blk_loop(it, _):
            for s in range(n_slots):
                blk = it * n_slots + s

                @pl.when(blk < n_blk)
                def _():
                    wait_gathers(s)
                    scatter_desc(s, blk).start()

                    @pl.when(blk + n_slots < n_blk)
                    def _():
                        build(blk + n_slots, s)

                    scatter_desc(s, blk).wait()

                    @pl.when(blk + n_slots < n_blk)
                    def _():
                        fire(s)

            return 0

        lax.fori_loop(0, (n_blk + n_slots - 1) // n_slots, blk_loop, 0)

    return k(idx3, table)


def kernel(spans, start_emb, end_emb):
    b, n, _ = spans.shape
    v_rows, half = start_emb.shape
    table = jnp.concatenate([start_emb, end_emb], axis=0)
    idx3 = spans.reshape(b // 128, 128, n, 2).transpose(2, 0, 3, 1)
    idx3 = idx3.reshape(n, (b // 128) * 2, 128)
    out = _sc_gather(idx3, table, v_rows)
    return out.reshape(b, n, 2 * half)

# --- scband reference (transcript-rebuilt; emitter-appended) ---
"""Pipeline reference for scband-chunk-span-embedding-63788854280492 (READ-ONLY COPY).

The authoritative reference and input builder live on the scoring server;
editing this copy changes nothing except your own understanding.
"""

import jax, jax.numpy as jnp
import numpy as np

DIM = 128
MAX_FRAMES = 4000
HALF = DIM // 2
B, N = 4096, 200


def setup_inputs(seed: int = 0) -> dict:
    key = jax.random.key(seed)
    k1, k2, k3 = jax.random.split(key, 3)
    spans = jax.random.randint(k1, (B, N, 2), 0, MAX_FRAMES + 1, dtype=jnp.int64 if jax.config.jax_enable_x64 else jnp.int32).astype(jnp.int32)
    start_emb = jax.random.normal(k2, (MAX_FRAMES + 1, HALF), dtype=jnp.float32)
    end_emb = jax.random.normal(k3, (MAX_FRAMES + 1, HALF), dtype=jnp.float32)
    return {"spans": spans, "start_emb": start_emb, "end_emb": end_emb}


def reference(spans, start_emb, end_emb):
    s = spans[..., 0]
    e = spans[..., 1]
    s_vec = jnp.take(start_emb, s, axis=0)
    e_vec = jnp.take(end_emb, e, axis=0)
    return jnp.concatenate([s_vec, e_vec], axis=-1)

if __name__ == "__main__":
    import jax
    _d = setup_inputs()
    print(jax.jit(kernel)(*tuple(_d.values())))

</pallas_src>

<mosaic_0001>
#map = affine_map<(d0, d1) -> (0, 0, 0)>
#map1 = affine_map<(d0, d1) -> (0, 0)>
module attributes {stable_mosaic.version = 14 : i64} {
  func.func @k(%arg0: i32, %arg1: i32, %arg2: memref<200x64x128xi32, #tpu.memory_space<hbm>>, %arg3: memref<8002x64xf32, #tpu.memory_space<hbm>>, %arg4: memref<1638400x64xf32, #tpu.memory_space<hbm>>, %arg5: memref<200x2x128xi32, #tpu.memory_space<vmem>>, %arg6: memref<3x256xi32, #tpu.memory_space<vmem>>, %arg7: memref<3x256x64xf32, #tpu.memory_space<vmem>>, %arg8: memref<!tpu.dma_semaphore, #tpu.memory_space<semaphore_mem>>, %arg9: memref<!tpu.dma_semaphore, #tpu.memory_space<semaphore_mem>>, %arg10: memref<!tpu.dma_semaphore, #tpu.memory_space<semaphore_mem>>, %arg11: memref<!tpu.dma_semaphore, #tpu.memory_space<semaphore_mem>>, %arg12: memref<!tpu.dma_semaphore, #tpu.memory_space<semaphore_mem>>, %arg13: memref<!tpu.dma_semaphore, #tpu.memory_space<semaphore_mem>>) attributes {dimension_semantics = [#tpu.dimension_semantics<core_parallel>, #tpu.dimension_semantics<subcore_parallel>], iteration_bounds = array<i64: 2, 16>, scalar_prefetch = 0 : i64, scratch_operands = 9 : i64, tpu.core_type = #tpu.core_type<sc_vector_subcore>, window_params = [{transform_indices = #map}, {transform_indices = #map1}, {transform_indices = #map1}]} {
    %mul3A = arith.constant 2 : i32
    %mul3A_0 = arith.muli %arg1, %mul3A : i32
    %add3A = arith.addi %mul3A_0, %arg0 : i32
    %mul3A_1 = arith.constant 51200 : i32
    %mul3A_2 = arith.muli %add3A, %mul3A_1 : i32
    %iota3A = tpu.iota {dimensions = array<i32: 0>} : vector<16xi32>
    %and3A = arith.constant 1 : i32
    %and3A_3 = vector.broadcast %and3A : i32 to vector<16xi32>
    %and3A_4 = arith.andi %iota3A, %and3A_3 : vector<16xi32>
    %mul3A_5 = arith.constant 4001 : i32
    %mul3A_6 = vector.broadcast %mul3A_5 : i32 to vector<16xi32>
    %mul3A_7 = arith.muli %and3A_4, %mul3A_6 : vector<16xi32>
    %mul3A_8 = arith.constant 2 : i32
    %mul3A_9 = arith.muli %add3A, %mul3A_8 : i32
    "tpu.region"() ({
      %run_scoped3A = tpu.sem_alloc : memref<!tpu.dma_semaphore, #tpu.memory_space<semaphore_mem>>
      %dma_start3A_108 = arith.constant 0 : i32
      %dma_start3A_109 = arith.constant 0 : i32
      %dma_start3A_110 = tpu.memref_slice %arg2[%dma_start3A_108, %mul3A_9, %dma_start3A_109] : memref<200x64x128xi32, #tpu.memory_space<hbm>> -> memref<200x2x128xi32, #tpu.memory_space<hbm>>
      %dma_start3A_111 = arith.constant 0 : i32
      %dma_start3A_112 = arith.constant 0 : i32
      %dma_start3A_113 = tpu.memref_slice %arg2[%dma_start3A_111, %mul3A_9, %dma_start3A_112] : memref<200x64x128xi32, #tpu.memory_space<hbm>> -> memref<200x2x128xi32, #tpu.memory_space<hbm>>
      tpu.enqueue_dma source(%dma_start3A_113 : memref<200x2x128xi32, #tpu.memory_space<hbm>>) target(%arg5 : memref<200x2x128xi32, #tpu.memory_space<vmem>>) target_semaphore(%run_scoped3A : memref<!tpu.dma_semaphore, #tpu.memory_space<semaphore_mem>>)
      %dma_wait3A = arith.constant 0 : i32
      %dma_wait3A_114 = arith.constant 0 : i32
      %dma_wait3A_115 = tpu.memref_slice %arg2[%dma_wait3A, %mul3A_9, %dma_wait3A_114] : memref<200x64x128xi32, #tpu.memory_space<hbm>> -> memref<200x2x128xi32, #tpu.memory_space<hbm>>
      %dma_wait3A_116 = arith.constant 0 : i32
      %dma_wait3A_117 = arith.constant 0 : i32
      %dma_wait3A_118 = tpu.memref_slice %arg2[%dma_wait3A_116, %mul3A_9, %dma_wait3A_117] : memref<200x64x128xi32, #tpu.memory_space<hbm>> -> memref<200x2x128xi32, #tpu.memory_space<hbm>>
      tpu.wait_dma2 semaphore(%run_scoped3A : memref<!tpu.dma_semaphore, #tpu.memory_space<semaphore_mem>>) src(%dma_wait3A_118 : memref<200x2x128xi32, #tpu.memory_space<hbm>>) dst(%arg5 : memref<200x2x128xi32, #tpu.memory_space<vmem>>)
      tpu.yield
    }) : () -> ()
    %scan3A = arith.constant 0 : i32
    %scan3A_10 = arith.constant 0 : i32
    %scan3A_11 = arith.constant 16 : i32
    %scan3A_12 = arith.addi %scan3A_10, %scan3A_11 : i32
    %scan3A_13 = arith.constant 1 : i32
    %scan3A_14 = scf.for %scan3A_108 = %scan3A_10 to %scan3A_12 step %scan3A_13 iter_args(%scan3A_109 = %scan3A) -> (i32)  : i32 {
      %mul3A_110 = arith.constant 16 : i32
      %mul3A_111 = arith.muli %scan3A_108, %mul3A_110 : i32
      %add3A_112 = arith.constant 0 : i32
      %add3A_113 = arith.addi %add3A_112, %mul3A_111 : i32
      %add3A_114 = vector.broadcast %add3A_113 : i32 to vector<16xi32>
      %add3A_115 = arith.addi %add3A_114, %iota3A : vector<16xi32>
      %jit3A = arith.constant 400 : i32
      %div3A = vector.broadcast %jit3A : i32 to vector<16xi32>
      %div3A_116 = arith.divsi %add3A_115, %div3A : vector<16xi32>
      %sign3A = arith.constant 0 : i32
      %sign3A_117 = vector.broadcast %sign3A : i32 to vector<16xi32>
      %sign3A_118 = arith.cmpi sgt, %add3A_115, %sign3A_117 : vector<16xi32>
      %sign3A_119 = arith.extui %sign3A_118 : vector<16xi1> to vector<16xi32>
      %sign3A_120 = arith.constant 0 : i32
      %sign3A_121 = vector.broadcast %sign3A_120 : i32 to vector<16xi32>
      %sign3A_122 = arith.cmpi slt, %add3A_115, %sign3A_121 : vector<16xi32>
      %sign3A_123 = arith.extui %sign3A_122 : vector<16xi1> to vector<16xi32>
      %sign3A_124 = arith.subi %sign3A_119, %sign3A_123 : vector<16xi32>
      %sign3A_125 = arith.constant 0 : i32
      %sign3A_126 = arith.cmpi sgt, %jit3A, %sign3A_125 : i32
      %sign3A_127 = arith.extui %sign3A_126 : i1 to i32
      %sign3A_128 = arith.constant 0 : i32
      %sign3A_129 = arith.cmpi slt, %jit3A, %sign3A_128 : i32
      %sign3A_130 = arith.extui %sign3A_129 : i1 to i32
      %sign3A_131 = arith.subi %sign3A_127, %sign3A_130 : i32
      %ne3A = vector.broadcast %sign3A_131 : i32 to vector<16xi32>
      %ne3A_132 = arith.cmpi ne, %sign3A_124, %ne3A : vector<16xi32>
      %rem3A = vector.broadcast %jit3A : i32 to vector<16xi32>
      %rem3A_133 = arith.remsi %add3A_115, %rem3A : vector<16xi32>
      %ne3A_134 = arith.constant 0 : i32
      %ne3A_135 = vector.broadcast %ne3A_134 : i32 to vector<16xi32>
      %ne3A_136 = arith.cmpi ne, %rem3A_133, %ne3A_135 : vector<16xi32>
      %and3A_137 = arith.andi %ne3A_132, %ne3A_136 : vector<16xi1>
      %sub3A = arith.constant 1 : i32
      %sub3A_138 = vector.broadcast %sub3A : i32 to vector<16xi32>
      %sub3A_139 = arith.subi %div3A_116, %sub3A_138 : vector<16xi32>
      %select_n3A = arith.select %and3A_137, %sub3A_139, %div3A_116 : vector<16xi1>, vector<16xi32>
      %mul3A_140 = arith.constant 400 : i32
      %mul3A_141 = vector.broadcast %mul3A_140 : i32 to vector<16xi32>
      %mul3A_142 = arith.muli %select_n3A, %mul3A_141 : vector<16xi32>
      %sub3A_143 = arith.subi %add3A_115, %mul3A_142 : vector<16xi32>
      %shift_right_arithmetic3A = arith.constant 1 : i32
      %shift_right_arithmetic3A_144 = vector.broadcast %shift_right_arithmetic3A : i32 to vector<16xi32>
      %shift_right_arithmetic3A_145 = arith.shrsi %sub3A_143, %shift_right_arithmetic3A_144 : vector<16xi32>
      %gather3A = tpu.vector_load_idx %arg5[%shift_right_arithmetic3A_145, %and3A_4, %select_n3A] : memref<200x2x128xi32, #tpu.memory_space<vmem>>[vector<16xi32>, vector<16xi32>, vector<16xi32>], vector<16xi32>,
      %add3A_146 = arith.addi %gather3A, %mul3A_7 : vector<16xi32>
      %mul3A_147 = arith.constant 16 : i32
      %mul3A_148 = arith.muli %scan3A_108, %mul3A_147 : i32
      %swap3A = arith.constant 0 : i32
      %swap3A_149 = arith.index_cast %swap3A : i32 to index
      %swap3A_150 = arith.index_cast %mul3A_148 : i32 to index
      %swap3A_151 = tpu.vector_load %arg6[%swap3A_149, %swap3A_150] {strides = array<i32>} : memref<3x256xi32, #tpu.memory_space<vmem>>, vector<16xi32>,
      tpu.vector_store %arg6[%swap3A_149, %swap3A_150], %add3A_146 {strides = array<i32>} : memref<3x256xi32, #tpu.memory_space<vmem>>, vector<16xi32>,
      %scan3A_152 = arith.constant 0 : i32
      scf.yield %scan3A_152 : i32
    }
    %scan3A_15 = arith.constant 16 : i32
    %dma_start3A = arith.constant 0 : i32
    %dma_start3A_16 = arith.constant 0 : i32
    %dma_start3A_17 = arith.constant 0 : i32
    %dma_start3A_18 = arith.constant 0 : i32
    %dma_start3A_19 = tpu.memref_slice %arg7[%dma_start3A_16, %dma_start3A_17, %dma_start3A_18] : memref<3x256x64xf32, #tpu.memory_space<vmem>> -> memref<1x128x64xf32, #tpu.memory_space<vmem>>
    %dma_start3A_20 = tpu.memref_squeeze %dma_start3A_19 : memref<1x128x64xf32, #tpu.memory_space<vmem>> -> memref<128x64xf32, #tpu.memory_space<vmem>>
    %dma_start3A_21 = arith.constant 0 : i32
    %dma_start3A_22 = tpu.memref_slice %arg6[%dma_start3A, %dma_start3A_21] : memref<3x256xi32, #tpu.memory_space<vmem>> -> memref<1x128xi32, #tpu.memory_space<vmem>>
    %dma_start3A_23 = tpu.memref_squeeze %dma_start3A_22 : memref<1x128xi32, #tpu.memory_space<vmem>> -> memref<128xi32, #tpu.memory_space<vmem>>
    %dma_start3A_24 = arith.constant 0 : i32
    %dma_start3A_25 = arith.constant 0 : i32
    %dma_start3A_26 = tpu.memref_slice %arg3[%dma_start3A_24, %dma_start3A_25] : memref<8002x64xf32, #tpu.memory_space<hbm>> -> memref<8002x64xf32, #tpu.memory_space<hbm>>
    tpu.enqueue_indirect_dma source(%dma_start3A_26 : memref<8002x64xf32, #tpu.memory_space<hbm>>) target(%dma_start3A_20 : memref<128x64xf32, #tpu.memory_space<vmem>>) offsets(%dma_start3A_23 : memref<128xi32, #tpu.memory_space<vmem>>) semaphore(%arg8 : memref<!tpu.dma_semaphore, #tpu.memory_space<semaphore_mem>>)
    %dma_start3A_27 = arith.constant 0 : i32
    %dma_start3A_28 = arith.constant 0 : i32
    %dma_start3A_29 = arith.constant 128 : i32
    %dma_start3A_30 = arith.constant 0 : i32
    %dma_start3A_31 = tpu.memref_slice %arg7[%dma_start3A_28, %dma_start3A_29, %dma_start3A_30] : memref<3x256x64xf32, #tpu.memory_space<vmem>> -> memref<1x128x64xf32, #tpu.memory_space<vmem>>
    %dma_start3A_32 = tpu.memref_squeeze %dma_start3A_31 : memref<1x128x64xf32, #tpu.memory_space<vmem>> -> memref<128x64xf32, #tpu.memory_space<vmem>>
    %dma_start3A_33 = arith.constant 128 : i32
    %dma_start3A_34 = tpu.memref_slice %arg6[%dma_start3A_27, %dma_start3A_33] : memref<3x256xi32, #tpu.memory_space<vmem>> -> memref<1x128xi32, #tpu.memory_space<vmem>>
    %dma_start3A_35 = tpu.memref_squeeze %dma_start3A_34 : memref<1x128xi32, #tpu.memory_space<vmem>> -> memref<128xi32, #tpu.memory_space<vmem>>
    %dma_start3A_36 = arith.constant 0 : i32
    %dma_start3A_37 = arith.constant 0 : i32
    %dma_start3A_38 = tpu.memref_slice %arg3[%dma_start3A_36, %dma_start3A_37] : memref<8002x64xf32, #tpu.memory_space<hbm>> -> memref<8002x64xf32, #tpu.memory_space<hbm>>
    tpu.enqueue_indirect_dma source(%dma_start3A_38 : memref<8002x64xf32, #tpu.memory_space<hbm>>) target(%dma_start3A_32 : memref<128x64xf32, #tpu.memory_space<vmem>>) offsets(%dma_start3A_35 : memref<128xi32, #tpu.memory_space<vmem>>) semaphore(%arg8 : memref<!tpu.dma_semaphore, #tpu.memory_space<semaphore_mem>>)
    %scan3A_39 = arith.constant 0 : i32
    %scan3A_40 = arith.constant 0 : i32
    %scan3A_41 = arith.constant 16 : i32
    %scan3A_42 = arith.addi %scan3A_40, %scan3A_41 : i32
    %scan3A_43 = arith.constant 1 : i32
    %scan3A_44 = scf.for %scan3A_108 = %scan3A_40 to %scan3A_42 step %scan3A_43 iter_args(%scan3A_109 = %scan3A_39) -> (i32)  : i32 {
      %mul3A_110 = arith.constant 16 : i32
      %mul3A_111 = arith.muli %scan3A_108, %mul3A_110 : i32
      %add3A_112 = arith.constant 256 : i32
      %add3A_113 = arith.addi %add3A_112, %mul3A_111 : i32
      %add3A_114 = vector.broadcast %add3A_113 : i32 to vector<16xi32>
      %add3A_115 = arith.addi %add3A_114, %iota3A : vector<16xi32>
      %jit3A = arith.constant 400 : i32
      %div3A = vector.broadcast %jit3A : i32 to vector<16xi32>
      %div3A_116 = arith.divsi %add3A_115, %div3A : vector<16xi32>
      %sign3A = arith.constant 0 : i32
      %sign3A_117 = vector.broadcast %sign3A : i32 to vector<16xi32>
      %sign3A_118 = arith.cmpi sgt, %add3A_115, %sign3A_117 : vector<16xi32>
      %sign3A_119 = arith.extui %sign3A_118 : vector<16xi1> to vector<16xi32>
      %sign3A_120 = arith.constant 0 : i32
      %sign3A_121 = vector.broadcast %sign3A_120 : i32 to vector<16xi32>
      %sign3A_122 = arith.cmpi slt, %add3A_115, %sign3A_121 : vector<16xi32>
      %sign3A_123 = arith.extui %sign3A_122 : vector<16xi1> to vector<16xi32>
      %sign3A_124 = arith.subi %sign3A_119, %sign3A_123 : vector<16xi32>
      %sign3A_125 = arith.constant 0 : i32
      %sign3A_126 = arith.cmpi sgt, %jit3A, %sign3A_125 : i32
      %sign3A_127 = arith.extui %sign3A_126 : i1 to i32
      %sign3A_128 = arith.constant 0 : i32
      %sign3A_129 = arith.cmpi slt, %jit3A, %sign3A_128 : i32
      %sign3A_130 = arith.extui %sign3A_129 : i1 to i32
      %sign3A_131 = arith.subi %sign3A_127, %sign3A_130 : i32
      %ne3A = vector.broadcast %sign3A_131 : i32 to vector<16xi32>
      %ne3A_132 = arith.cmpi ne, %sign3A_124, %ne3A : vector<16xi32>
      %rem3A = vector.broadcast %jit3A : i32 to vector<16xi32>
      %rem3A_133 = arith.remsi %add3A_115, %rem3A : vector<16xi32>
      %ne3A_134 = arith.constant 0 : i32
      %ne3A_135 = vector.broadcast %ne3A_134 : i32 to vector<16xi32>
      %ne3A_136 = arith.cmpi ne, %rem3A_133, %ne3A_135 : vector<16xi32>
      %and3A_137 = arith.andi %ne3A_132, %ne3A_136 : vector<16xi1>
      %sub3A = arith.constant 1 : i32
      %sub3A_138 = vector.broadcast %sub3A : i32 to vector<16xi32>
      %sub3A_139 = arith.subi %div3A_116, %sub3A_138 : vector<16xi32>
      %select_n3A = arith.select %and3A_137, %sub3A_139, %div3A_116 : vector<16xi1>, vector<16xi32>
      %mul3A_140 = arith.constant 400 : i32
      %mul3A_141 = vector.broadcast %mul3A_140 : i32 to vector<16xi32>
      %mul3A_142 = arith.muli %select_n3A, %mul3A_141 : vector<16xi32>
      %sub3A_143 = arith.subi %add3A_115, %mul3A_142 : vector<16xi32>
      %shift_right_arithmetic3A = arith.constant 1 : i32
      %shift_right_arithmetic3A_144 = vector.broadcast %shift_right_arithmetic3A : i32 to vector<16xi32>
      %shift_right_arithmetic3A_145 = arith.shrsi %sub3A_143, %shift_right_arithmetic3A_144 : vector<16xi32>
      %gather3A = tpu.vector_load_idx %arg5[%shift_right_arithmetic3A_145, %and3A_4, %select_n3A] : memref<200x2x128xi32, #tpu.memory_space<vmem>>[vector<16xi32>, vector<16xi32>, vector<16xi32>], vector<16xi32>,
      %add3A_146 = arith.addi %gather3A, %mul3A_7 : vector<16xi32>
      %mul3A_147 = arith.constant 16 : i32
      %mul3A_148 = arith.muli %scan3A_108, %mul3A_147 : i32
      %swap3A = arith.constant 1 : i32
      %swap3A_149 = arith.index_cast %swap3A : i32 to index
      %swap3A_150 = arith.index_cast %mul3A_148 : i32 to index
      %swap3A_151 = tpu.vector_load %arg6[%swap3A_149, %swap3A_150] {strides = array<i32>} : memref<3x256xi32, #tpu.memory_space<vmem>>, vector<16xi32>,
      tpu.vector_store %arg6[%swap3A_149, %swap3A_150], %add3A_146 {strides = array<i32>} : memref<3x256xi32, #tpu.memory_space<vmem>>, vector<16xi32>,
      %scan3A_152 = arith.constant 0 : i32
      scf.yield %scan3A_152 : i32
    }
    %scan3A_45 = arith.constant 16 : i32
    %dma_start3A_46 = arith.constant 1 : i32
    %dma_start3A_47 = arith.constant 1 : i32
    %dma_start3A_48 = arith.constant 0 : i32
    %dma_start3A_49 = arith.constant 0 : i32
    %dma_start3A_50 = tpu.memref_slice %arg7[%dma_start3A_47, %dma_start3A_48, %dma_start3A_49] : memref<3x256x64xf32, #tpu.memory_space<vmem>> -> memref<1x128x64xf32, #tpu.memory_space<vmem>>
    %dma_start3A_51 = tpu.memref_squeeze %dma_start3A_50 : memref<1x128x64xf32, #tpu.memory_space<vmem>> -> memref<128x64xf32, #tpu.memory_space<vmem>>
    %dma_start3A_52 = arith.constant 0 : i32
    %dma_start3A_53 = tpu.memref_slice %arg6[%dma_start3A_46, %dma_start3A_52] : memref<3x256xi32, #tpu.memory_space<vmem>> -> memref<1x128xi32, #tpu.memory_space<vmem>>
    %dma_start3A_54 = tpu.memref_squeeze %dma_start3A_53 : memref<1x128xi32, #tpu.memory_space<vmem>> -> memref<128xi32, #tpu.memory_space<vmem>>
    %dma_start3A_55 = arith.constant 0 : i32
    %dma_start3A_56 = arith.constant 0 : i32
    %dma_start3A_57 = tpu.memref_slice %arg3[%dma_start3A_55, %dma_start3A_56] : memref<8002x64xf32, #tpu.memory_space<hbm>> -> memref<8002x64xf32, #tpu.memory_space<hbm>>
    tpu.enqueue_indirect_dma source(%dma_start3A_57 : memref<8002x64xf32, #tpu.memory_space<hbm>>) target(%dma_start3A_51 : memref<128x64xf32, #tpu.memory_space<vmem>>) offsets(%dma_start3A_54 : memref<128xi32, #tpu.memory_space<vmem>>) semaphore(%arg9 : memref<!tpu.dma_semaphore, #tpu.memory_space<semaphore_mem>>)
    %dma_start3A_58 = arith.constant 1 : i32
    %dma_start3A_59 = arith.constant 1 : i32
    %dma_start3A_60 = arith.constant 128 : i32
    %dma_start3A_61 = arith.constant 0 : i32
    %dma_start3A_62 = tpu.memref_slice %arg7[%dma_start3A_59, %dma_start3A_60, %dma_start3A_61] : memref<3x256x64xf32, #tpu.memory_space<vmem>> -> memref<1x128x64xf32, #tpu.memory_space<vmem>>
    %dma_start3A_63 = tpu.memref_squeeze %dma_start3A_62 : memref<1x128x64xf32, #tpu.memory_space<vmem>> -> memref<128x64xf32, #tpu.memory_space<vmem>>
    %dma_start3A_64 = arith.constant 128 : i32
    %dma_start3A_65 = tpu.memref_slice %arg6[%dma_start3A_58, %dma_start3A_64] : memref<3x256xi32, #tpu.memory_space<vmem>> -> memref<1x128xi32, #tpu.memory_space<vmem>>
    %dma_start3A_66 = tpu.memref_squeeze %dma_start3A_65 : memref<1x128xi32, #tpu.memory_space<vmem>> -> memref<128xi32, #tpu.memory_space<vmem>>
    %dma_start3A_67 = arith.constant 0 : i32
    %dma_start3A_68 = arith.constant 0 : i32
    %dma_start3A_69 = tpu.memref_slice %arg3[%dma_start3A_67, %dma_start3A_68] : memref<8002x64xf32, #tpu.memory_space<hbm>> -> memref<8002x64xf32, #tpu.memory_space<hbm>>
    tpu.enqueue_indirect_dma source(%dma_start3A_69 : memref<8002x64xf32, #tpu.memory_space<hbm>>) target(%dma_start3A_63 : memref<128x64xf32, #tpu.memory_space<vmem>>) offsets(%dma_start3A_66 : memref<128xi32, #tpu.memory_space<vmem>>) semaphore(%arg9 : memref<!tpu.dma_semaphore, #tpu.memory_space<semaphore_mem>>)
    %scan3A_70 = arith.constant 0 : i32
    %scan3A_71 = arith.constant 0 : i32
    %scan3A_72 = arith.constant 16 : i32
    %scan3A_73 = arith.addi %scan3A_71, %scan3A_72 : i32
    %scan3A_74 = arith.constant 1 : i32
    %scan3A_75 = scf.for %scan3A_108 = %scan3A_71 to %scan3A_73 step %scan3A_74 iter_args(%scan3A_109 = %scan3A_70) -> (i32)  : i32 {
      %mul3A_110 = arith.constant 16 : i32
      %mul3A_111 = arith.muli %scan3A_108, %mul3A_110 : i32
      %add3A_112 = arith.constant 512 : i32
      %add3A_113 = arith.addi %add3A_112, %mul3A_111 : i32
      %add3A_114 = vector.broadcast %add3A_113 : i32 to vector<16xi32>
      %add3A_115 = arith.addi %add3A_114, %iota3A : vector<16xi32>
      %jit3A = arith.constant 400 : i32
      %div3A = vector.broadcast %jit3A : i32 to vector<16xi32>
      %div3A_116 = arith.divsi %add3A_115, %div3A : vector<16xi32>
      %sign3A = arith.constant 0 : i32
      %sign3A_117 = vector.broadcast %sign3A : i32 to vector<16xi32>
      %sign3A_118 = arith.cmpi sgt, %add3A_115, %sign3A_117 : vector<16xi32>
      %sign3A_119 = arith.extui %sign3A_118 : vector<16xi1> to vector<16xi32>
      %sign3A_120 = arith.constant 0 : i32
      %sign3A_121 = vector.broadcast %sign3A_120 : i32 to vector<16xi32>
      %sign3A_122 = arith.cmpi slt, %add3A_115, %sign3A_121 : vector<16xi32>
      %sign3A_123 = arith.extui %sign3A_122 : vector<16xi1> to vector<16xi32>
      %sign3A_124 = arith.subi %sign3A_119, %sign3A_123 : vector<16xi32>
      %sign3A_125 = arith.constant 0 : i32
      %sign3A_126 = arith.cmpi sgt, %jit3A, %sign3A_125 : i32
      %sign3A_127 = arith.extui %sign3A_126 : i1 to i32
      %sign3A_128 = arith.constant 0 : i32
      %sign3A_129 = arith.cmpi slt, %jit3A, %sign3A_128 : i32
      %sign3A_130 = arith.extui %sign3A_129 : i1 to i32
      %sign3A_131 = arith.subi %sign3A_127, %sign3A_130 : i32
      %ne3A = vector.broadcast %sign3A_131 : i32 to vector<16xi32>
      %ne3A_132 = arith.cmpi ne, %sign3A_124, %ne3A : vector<16xi32>
      %rem3A = vector.broadcast %jit3A : i32 to vector<16xi32>
      %rem3A_133 = arith.remsi %add3A_115, %rem3A : vector<16xi32>
      %ne3A_134 = arith.constant 0 : i32
      %ne3A_135 = vector.broadcast %ne3A_134 : i32 to vector<16xi32>
      %ne3A_136 = arith.cmpi ne, %rem3A_133, %ne3A_135 : vector<16xi32>
      %and3A_137 = arith.andi %ne3A_132, %ne3A_136 : vector<16xi1>
      %sub3A = arith.constant 1 : i32
      %sub3A_138 = vector.broadcast %sub3A : i32 to vector<16xi32>
      %sub3A_139 = arith.subi %div3A_116, %sub3A_138 : vector<16xi32>
      %select_n3A = arith.select %and3A_137, %sub3A_139, %div3A_116 : vector<16xi1>, vector<16xi32>
      %mul3A_140 = arith.constant 400 : i32
      %mul3A_141 = vector.broadcast %mul3A_140 : i32 to vector<16xi32>
      %mul3A_142 = arith.muli %select_n3A, %mul3A_141 : vector<16xi32>
      %sub3A_143 = arith.subi %add3A_115, %mul3A_142 : vector<16xi32>
      %shift_right_arithmetic3A = arith.constant 1 : i32
      %shift_right_arithmetic3A_144 = vector.broadcast %shift_right_arithmetic3A : i32 to vector<16xi32>
      %shift_right_arithmetic3A_145 = arith.shrsi %sub3A_143, %shift_right_arithmetic3A_144 : vector<16xi32>
      %gather3A = tpu.vector_load_idx %arg5[%shift_right_arithmetic3A_145, %and3A_4, %select_n3A] : memref<200x2x128xi32, #tpu.memory_space<vmem>>[vector<16xi32>, vector<16xi32>, vector<16xi32>], vector<16xi32>,
      %add3A_146 = arith.addi %gather3A, %mul3A_7 : vector<16xi32>
      %mul3A_147 = arith.constant 16 : i32
      %mul3A_148 = arith.muli %scan3A_108, %mul3A_147 : i32
      %swap3A = arith.constant 2 : i32
      %swap3A_149 = arith.index_cast %swap3A : i32 to index
      %swap3A_150 = arith.index_cast %mul3A_148 : i32 to index
      %swap3A_151 = tpu.vector_load %arg6[%swap3A_149, %swap3A_150] {strides = array<i32>} : memref<3x256xi32, #tpu.memory_space<vmem>>, vector<16xi32>,
      tpu.vector_store %arg6[%swap3A_149, %swap3A_150], %add3A_146 {strides = array<i32>} : memref<3x256xi32, #tpu.memory_space<vmem>>, vector<16xi32>,
      %scan3A_152 = arith.constant 0 : i32
      scf.yield %scan3A_152 : i32
    }
    %scan3A_76 = arith.constant 16 : i32
    %dma_start3A_77 = arith.constant 2 : i32
    %dma_start3A_78 = arith.constant 2 : i32
    %dma_start3A_79 = arith.constant 0 : i32
    %dma_start3A_80 = arith.constant 0 : i32
    %dma_start3A_81 = tpu.memref_slice %arg7[%dma_start3A_78, %dma_start3A_79, %dma_start3A_80] : memref<3x256x64xf32, #tpu.memory_space<vmem>> -> memref<1x128x64xf32, #tpu.memory_space<vmem>>
    %dma_start3A_82 = tpu.memref_squeeze %dma_start3A_81 : memref<1x128x64xf32, #tpu.memory_space<vmem>> -> memref<128x64xf32, #tpu.memory_space<vmem>>
    %dma_start3A_83 = arith.constant 0 : i32
    %dma_start3A_84 = tpu.memref_slice %arg6[%dma_start3A_77, %dma_start3A_83] : memref<3x256xi32, #tpu.memory_space<vmem>> -> memref<1x128xi32, #tpu.memory_space<vmem>>
    %dma_start3A_85 = tpu.memref_squeeze %dma_start3A_84 : memref<1x128xi32, #tpu.memory_space<vmem>> -> memref<128xi32, #tpu.memory_space<vmem>>
    %dma_start3A_86 = arith.constant 0 : i32
    %dma_start3A_87 = arith.constant 0 : i32
    %dma_start3A_88 = tpu.memref_slice %arg3[%dma_start3A_86, %dma_start3A_87] : memref<8002x64xf32, #tpu.memory_space<hbm>> -> memref<8002x64xf32, #tpu.memory_space<hbm>>
    tpu.enqueue_indirect_dma source(%dma_start3A_88 : memref<8002x64xf32, #tpu.memory_space<hbm>>) target(%dma_start3A_82 : memref<128x64xf32, #tpu.memory_space<vmem>>) offsets(%dma_start3A_85 : memref<128xi32, #tpu.memory_space<vmem>>) semaphore(%arg10 : memref<!tpu.dma_semaphore, #tpu.memory_space<semaphore_mem>>)
    %dma_start3A_89 = arith.constant 2 : i32
    %dma_start3A_90 = arith.constant 2 : i32
    %dma_start3A_91 = arith.constant 128 : i32
    %dma_start3A_92 = arith.constant 0 : i32
    %dma_start3A_93 = tpu.memref_slice %arg7[%dma_start3A_90, %dma_start3A_91, %dma_start3A_92] : memref<3x256x64xf32, #tpu.memory_space<vmem>> -> memref<1x128x64xf32, #tpu.memory_space<vmem>>
    %dma_start3A_94 = tpu.memref_squeeze %dma_start3A_93 : memref<1x128x64xf32, #tpu.memory_space<vmem>> -> memref<128x64xf32, #tpu.memory_space<vmem>>
    %dma_start3A_95 = arith.constant 128 : i32
    %dma_start3A_96 = tpu.memref_slice %arg6[%dma_start3A_89, %dma_start3A_95] : memref<3x256xi32, #tpu.memory_space<vmem>> -> memref<1x128xi32, #tpu.memory_space<vmem>>
    %dma_start3A_97 = tpu.memref_squeeze %dma_start3A_96 : memref<1x128xi32, #tpu.memory_space<vmem>> -> memref<128xi32, #tpu.memory_space<vmem>>
    %dma_start3A_98 = arith.constant 0 : i32
    %dma_start3A_99 = arith.constant 0 : i32
    %dma_start3A_100 = tpu.memref_slice %arg3[%dma_start3A_98, %dma_start3A_99] : memref<8002x64xf32, #tpu.memory_space<hbm>> -> memref<8002x64xf32, #tpu.memory_space<hbm>>
    tpu.enqueue_indirect_dma source(%dma_start3A_100 : memref<8002x64xf32, #tpu.memory_space<hbm>>) target(%dma_start3A_94 : memref<128x64xf32, #tpu.memory_space<vmem>>) offsets(%dma_start3A_97 : memref<128xi32, #tpu.memory_space<vmem>>) semaphore(%arg10 : memref<!tpu.dma_semaphore, #tpu.memory_space<semaphore_mem>>)
    %scan3A_101 = arith.constant 0 : i32
    %scan3A_102 = arith.constant 0 : i32
    %scan3A_103 = arith.constant 67 : i32
    %scan3A_104 = arith.addi %scan3A_102, %scan3A_103 : i32
    %scan3A_105 = arith.constant 1 : i32
    %scan3A_106 = scf.for %scan3A_108 = %scan3A_102 to %scan3A_104 step %scan3A_105 iter_args(%scan3A_109 = %scan3A_101) -> (i32)  : i32 {
      %mul3A_110 = arith.constant 3 : i32
      %mul3A_111 = arith.muli %scan3A_108, %mul3A_110 : i32
      %add3A_112 = arith.constant 0 : i32
      %add3A_113 = arith.addi %mul3A_111, %add3A_112 : i32
      %lt3A = arith.constant 200 : i32
      %lt3A_114 = arith.cmpi slt, %add3A_113, %lt3A : i32
      %convert_element_type3A = arith.extui %lt3A_114 : i1 to i32
      %cond3A = arith.constant 0 : i32
      %cond3A_115 = arith.cmpi ne, %convert_element_type3A, %cond3A : i32
      scf.if %cond3A_115 {
        %dma_wait3A = arith.constant 0 : i32
        %dma_wait3A_135 = arith.constant 0 : i32
        %dma_wait3A_136 = arith.constant 0 : i32
        %dma_wait3A_137 = arith.constant 0 : i32
        %dma_wait3A_138 = tpu.memref_slice %arg7[%dma_wait3A_135, %dma_wait3A_136, %dma_wait3A_137] : memref<3x256x64xf32, #tpu.memory_space<vmem>> -> memref<1x128x64xf32, #tpu.memory_space<vmem>>
        %dma_wait3A_139 = tpu.memref_squeeze %dma_wait3A_138 : memref<1x128x64xf32, #tpu.memory_space<vmem>> -> memref<128x64xf32, #tpu.memory_space<vmem>>
        %dma_wait3A_140 = arith.constant 0 : i32
        %dma_wait3A_141 = tpu.memref_slice %arg6[%dma_wait3A, %dma_wait3A_140] : memref<3x256xi32, #tpu.memory_space<vmem>> -> memref<1x128xi32, #tpu.memory_space<vmem>>
        %dma_wait3A_142 = tpu.memref_squeeze %dma_wait3A_141 : memref<1x128xi32, #tpu.memory_space<vmem>> -> memref<128xi32, #tpu.memory_space<vmem>>
        %dma_wait3A_143 = arith.constant 0 : i32
        %dma_wait3A_144 = arith.constant 0 : i32
        %dma_wait3A_145 = tpu.memref_slice %arg3[%dma_wait3A_143, %dma_wait3A_144] : memref<8002x64xf32, #tpu.memory_space<hbm>> -> memref<8002x64xf32, #tpu.memory_space<hbm>>
        tpu.wait_indirect_dma semaphore(%arg8 : memref<!tpu.dma_semaphore, #tpu.memory_space<semaphore_mem>>) src(%dma_wait3A_145 : memref<8002x64xf32, #tpu.memory_space<hbm>>) dst(%dma_wait3A_139 : memref<128x64xf32, #tpu.memory_space<vmem>>)
        %dma_wait3A_146 = arith.constant 0 : i32
        %dma_wait3A_147 = arith.constant 0 : i32
        %dma_wait3A_148 = arith.constant 128 : i32
        %dma_wait3A_149 = arith.constant 0 : i32
        %dma_wait3A_150 = tpu.memref_slice %arg7[%dma_wait3A_147, %dma_wait3A_148, %dma_wait3A_149] : memref<3x256x64xf32, #tpu.memory_space<vmem>> -> memref<1x128x64xf32, #tpu.memory_space<vmem>>
        %dma_wait3A_151 = tpu.memref_squeeze %dma_wait3A_150 : memref<1x128x64xf32, #tpu.memory_space<vmem>> -> memref<128x64xf32, #tpu.memory_space<vmem>>
        %dma_wait3A_152 = arith.constant 128 : i32
        %dma_wait3A_153 = tpu.memref_slice %arg6[%dma_wait3A_146, %dma_wait3A_152] : memref<3x256xi32, #tpu.memory_space<vmem>> -> memref<1x128xi32, #tpu.memory_space<vmem>>
        %dma_wait3A_154 = tpu.memref_squeeze %dma_wait3A_153 : memref<1x128xi32, #tpu.memory_space<vmem>> -> memref<128xi32, #tpu.memory_space<vmem>>
        %dma_wait3A_155 = arith.constant 0 : i32
        %dma_wait3A_156 = arith.constant 0 : i32
        %dma_wait3A_157 = tpu.memref_slice %arg3[%dma_wait3A_155, %dma_wait3A_156] : memref<8002x64xf32, #tpu.memory_space<hbm>> -> memref<8002x64xf32, #tpu.memory_space<hbm>>
        tpu.wait_indirect_dma semaphore(%arg8 : memref<!tpu.dma_semaphore, #tpu.memory_space<semaphore_mem>>) src(%dma_wait3A_157 : memref<8002x64xf32, #tpu.memory_space<hbm>>) dst(%dma_wait3A_151 : memref<128x64xf32, #tpu.memory_space<vmem>>)
        %mul3A_158 = arith.constant 256 : i32
        %mul3A_159 = arith.muli %add3A_113, %mul3A_158 : i32
        %add3A_160 = arith.addi %mul3A_2, %mul3A_159 : i32
        %dma_start3A_161 = arith.constant 0 : i32
        %dma_start3A_162 = arith.constant 0 : i32
        %dma_start3A_163 = arith.constant 0 : i32
        %dma_start3A_164 = tpu.memref_slice %arg7[%dma_start3A_161, %dma_start3A_162, %dma_start3A_163] : memref<3x256x64xf32, #tpu.memory_space<vmem>> -> memref<1x256x64xf32, #tpu.memory_space<vmem>>
        %dma_start3A_165 = tpu.memref_squeeze %dma_start3A_164 : memref<1x256x64xf32, #tpu.memory_space<vmem>> -> memref<256x64xf32, #tpu.memory_space<vmem>>
        %dma_start3A_166 = arith.constant 0 : i32
        %dma_start3A_167 = tpu.memref_slice %arg4[%add3A_160, %dma_start3A_166] : memref<1638400x64xf32, #tpu.memory_space<hbm>> -> memref<256x64xf32, #tpu.memory_space<hbm>>
        %dma_start3A_168 = arith.constant 0 : i32
        %dma_start3A_169 = tpu.memref_slice %arg4[%add3A_160, %dma_start3A_168] : memref<1638400x64xf32, #tpu.memory_space<hbm>> -> memref<256x64xf32, #tpu.memory_space<hbm>>
        %dma_start3A_170 = arith.constant 0 : i32
        %dma_start3A_171 = arith.constant 0 : i32
        %dma_start3A_172 = tpu.memref_slice %arg7[%dma_start3A_161, %dma_start3A_170, %dma_start3A_171] : memref<3x256x64xf32, #tpu.memory_space<vmem>> -> memref<1x256x64xf32, #tpu.memory_space<vmem>>
        %dma_start3A_173 = tpu.memref_squeeze %dma_start3A_172 : memref<1x256x64xf32, #tpu.memory_space<vmem>> -> memref<256x64xf32, #tpu.memory_space<vmem>>
        tpu.enqueue_dma source(%dma_start3A_173 : memref<256x64xf32, #tpu.memory_space<vmem>>) target(%dma_start3A_169 : memref<256x64xf32, #tpu.memory_space<hbm>>) target_semaphore(%arg11 : memref<!tpu.dma_semaphore, #tpu.memory_space<semaphore_mem>>)
        %add3A_174 = arith.constant 3 : i32
        %add3A_175 = arith.addi %add3A_113, %add3A_174 : i32
        %lt3A_176 = arith.constant 200 : i32
        %lt3A_177 = arith.cmpi slt, %add3A_175, %lt3A_176 : i32
        %convert_element_type3A_178 = arith.extui %lt3A_177 : i1 to i32
        %cond3A_179 = arith.constant 0 : i32
        %cond3A_180 = arith.cmpi ne, %convert_element_type3A_178, %cond3A_179 : i32
        scf.if %cond3A_180 {
          %add3A_204 = arith.constant 3 : i32
          %add3A_205 = arith.addi %add3A_113, %add3A_204 : i32
          %mul3A_206 = arith.constant 256 : i32
          %mul3A_207 = arith.muli %add3A_205, %mul3A_206 : i32
          %scan3A_208 = arith.constant 0 : i32
          %scan3A_209 = arith.constant 0 : i32
          %scan3A_210 = arith.constant 16 : i32
          %scan3A_211 = arith.addi %scan3A_209, %scan3A_210 : i32
          %scan3A_212 = arith.constant 1 : i32
          %scan3A_213 = scf.for %scan3A_215 = %scan3A_209 to %scan3A_211 step %scan3A_212 iter_args(%scan3A_216 = %scan3A_208) -> (i32)  : i32 {
            %mul3A_217 = arith.constant 16 : i32
            %mul3A_218 = arith.muli %scan3A_215, %mul3A_217 : i32
            %add3A_219 = arith.addi %mul3A_207, %mul3A_218 : i32
            %add3A_220 = vector.broadcast %add3A_219 : i32 to vector<16xi32>
            %add3A_221 = arith.addi %add3A_220, %iota3A : vector<16xi32>
            %jit3A = arith.constant 400 : i32
            %div3A = vector.broadcast %jit3A : i32 to vector<16xi32>
            %div3A_222 = arith.divsi %add3A_221, %div3A : vector<16xi32>
            %sign3A = arith.constant 0 : i32
            %sign3A_223 = vector.broadcast %sign3A : i32 to vector<16xi32>
            %sign3A_224 = arith.cmpi sgt, %add3A_221, %sign3A_223 : vector<16xi32>
            %sign3A_225 = arith.extui %sign3A_224 : vector<16xi1> to vector<16xi32>
            %sign3A_226 = arith.constant 0 : i32
            %sign3A_227 = vector.broadcast %sign3A_226 : i32 to vector<16xi32>
            %sign3A_228 = arith.cmpi slt, %add3A_221, %sign3A_227 : vector<16xi32>
            %sign3A_229 = arith.extui %sign3A_228 : vector<16xi1> to vector<16xi32>
            %sign3A_230 = arith.subi %sign3A_225, %sign3A_229 : vector<16xi32>
            %sign3A_231 = arith.constant 0 : i32
            %sign3A_232 = arith.cmpi sgt, %jit3A, %sign3A_231 : i32
            %sign3A_233 = arith.extui %sign3A_232 : i1 to i32
            %sign3A_234 = arith.constant 0 : i32
            %sign3A_235 = arith.cmpi slt, %jit3A, %sign3A_234 : i32
            %sign3A_236 = arith.extui %sign3A_235 : i1 to i32
            %sign3A_237 = arith.subi %sign3A_233, %sign3A_236 : i32
            %ne3A = vector.broadcast %sign3A_237 : i32 to vector<16xi32>
            %ne3A_238 = arith.cmpi ne, %sign3A_230, %ne3A : vector<16xi32>
            %rem3A = vector.broadcast %jit3A : i32 to vector<16xi32>
            %rem3A_239 = arith.remsi %add3A_221, %rem3A : vector<16xi32>
            %ne3A_240 = arith.constant 0 : i32
            %ne3A_241 = vector.broadcast %ne3A_240 : i32 to vector<16xi32>
            %ne3A_242 = arith.cmpi ne, %rem3A_239, %ne3A_241 : vector<16xi32>
            %and3A_243 = arith.andi %ne3A_238, %ne3A_242 : vector<16xi1>
            %sub3A = arith.constant 1 : i32
            %sub3A_244 = vector.broadcast %sub3A : i32 to vector<16xi32>
            %sub3A_245 = arith.subi %div3A_222, %sub3A_244 : vector<16xi32>
            %select_n3A = arith.select %and3A_243, %sub3A_245, %div3A_222 : vector<16xi1>, vector<16xi32>
            %mul3A_246 = arith.constant 400 : i32
            %mul3A_247 = vector.broadcast %mul3A_246 : i32 to vector<16xi32>
            %mul3A_248 = arith.muli %select_n3A, %mul3A_247 : vector<16xi32>
            %sub3A_249 = arith.subi %add3A_221, %mul3A_248 : vector<16xi32>
            %shift_right_arithmetic3A = arith.constant 1 : i32
            %shift_right_arithmetic3A_250 = vector.broadcast %shift_right_arithmetic3A : i32 to vector<16xi32>
            %shift_right_arithmetic3A_251 = arith.shrsi %sub3A_249, %shift_right_arithmetic3A_250 : vector<16xi32>
            %gather3A = tpu.vector_load_idx %arg5[%shift_right_arithmetic3A_251, %and3A_4, %select_n3A] : memref<200x2x128xi32, #tpu.memory_space<vmem>>[vector<16xi32>, vector<16xi32>, vector<16xi32>], vector<16xi32>,
            %add3A_252 = arith.addi %gather3A, %mul3A_7 : vector<16xi32>
            %mul3A_253 = arith.constant 16 : i32
            %mul3A_254 = arith.muli %scan3A_215, %mul3A_253 : i32
            %swap3A = arith.constant 0 : i32
            %swap3A_255 = arith.index_cast %swap3A : i32 to index
            %swap3A_256 = arith.index_cast %mul3A_254 : i32 to index
            %swap3A_257 = tpu.vector_load %arg6[%swap3A_255, %swap3A_256] {strides = array<i32>} : memref<3x256xi32, #tpu.memory_space<vmem>>, vector<16xi32>,
            tpu.vector_store %arg6[%swap3A_255, %swap3A_256], %add3A_252 {strides = array<i32>} : memref<3x256xi32, #tpu.memory_space<vmem>>, vector<16xi32>,
            %scan3A_258 = arith.constant 0 : i32
            scf.yield %scan3A_258 : i32
          }
          %scan3A_214 = arith.constant 16 : i32
        } else {
        }
        %mul3A_181 = arith.constant 256 : i32
        %mul3A_182 = arith.muli %add3A_113, %mul3A_181 : i32
        %add3A_183 = arith.addi %mul3A_2, %mul3A_182 : i32
        %dma_wait3A_184 = arith.constant 0 : i32
        %dma_wait3A_185 = arith.constant 0 : i32
        %dma_wait3A_186 = arith.constant 0 : i32
        %dma_wait3A_187 = tpu.memref_slice %arg7[%dma_wait3A_184, %dma_wait3A_185, %dma_wait3A_186] : memref<3x256x64xf32, #tpu.memory_space<vmem>> -> memref<1x256x64xf32, #tpu.memory_space<vmem>>
        %dma_wait3A_188 = tpu.memref_squeeze %dma_wait3A_187 : memref<1x256x64xf32, #tpu.memory_space<vmem>> -> memref<256x64xf32, #tpu.memory_space<vmem>>
        %dma_wait3A_189 = arith.constant 0 : i32
        %dma_wait3A_190 = tpu.memref_slice %arg4[%add3A_183, %dma_wait3A_189] : memref<1638400x64xf32, #tpu.memory_space<hbm>> -> memref<256x64xf32, #tpu.memory_space<hbm>>
        %dma_wait3A_191 = arith.constant 0 : i32
        %dma_wait3A_192 = tpu.memref_slice %arg4[%add3A_183, %dma_wait3A_191] : memref<1638400x64xf32, #tpu.memory_space<hbm>> -> memref<256x64xf32, #tpu.memory_space<hbm>>
        %dma_wait3A_193 = arith.constant 0 : i32
        %dma_wait3A_194 = arith.constant 0 : i32
        %dma_wait3A_195 = tpu.memref_slice %arg7[%dma_wait3A_184, %dma_wait3A_193, %dma_wait3A_194] : memref<3x256x64xf32, #tpu.memory_space<vmem>> -> memref<1x256x64xf32, #tpu.memory_space<vmem>>
        %dma_wait3A_196 = tpu.memref_squeeze %dma_wait3A_195 : memref<1x256x64xf32, #tpu.memory_space<vmem>> -> memref<256x64xf32, #tpu.memory_space<vmem>>
        tpu.wait_dma2 semaphore(%arg11 : memref<!tpu.dma_semaphore, #tpu.memory_space<semaphore_mem>>) src(%dma_wait3A_196 : memref<256x64xf32, #tpu.memory_space<vmem>>) dst(%dma_wait3A_192 : memref<256x64xf32, #tpu.memory_space<hbm>>)
        %add3A_197 = arith.constant 3 : i32
        %add3A_198 = arith.addi %add3A_113, %add3A_197 : i32
        %lt3A_199 = arith.constant 200 : i32
        %lt3A_200 = arith.cmpi slt, %add3A_198, %lt3A_199 : i32
        %convert_element_type3A_201 = arith.extui %lt3A_200 : i1 to i32
        %cond3A_202 = arith.constant 0 : i32
        %cond3A_203 = arith.cmpi ne, %convert_element_type3A_201, %cond3A_202 : i32
        scf.if %cond3A_203 {
          %dma_start3A_204 = arith.constant 0 : i32
          %dma_start3A_205 = arith.constant 0 : i32
          %dma_start3A_206 = arith.constant 0 : i32
          %dma_start3A_207 = arith.constant 0 : i32
          %dma_start3A_208 = tpu.memref_slice %arg7[%dma_start3A_205, %dma_start3A_206, %dma_start3A_207] : memref<3x256x64xf32, #tpu.memory_space<vmem>> -> memref<1x128x64xf32, #tpu.memory_space<vmem>>
          %dma_start3A_209 = tpu.memref_squeeze %dma_start3A_208 : memref<1x128x64xf32, #tpu.memory_space<vmem>> -> memref<128x64xf32, #tpu.memory_space<vmem>>
          %dma_start3A_210 = arith.constant 0 : i32
          %dma_start3A_211 = tpu.memref_slice %arg6[%dma_start3A_204, %dma_start3A_210] : memref<3x256xi32, #tpu.memory_space<vmem>> -> memref<1x128xi32, #tpu.memory_space<vmem>>
          %dma_start3A_212 = tpu.memref_squeeze %dma_start3A_211 : memref<1x128xi32, #tpu.memory_space<vmem>> -> memref<128xi32, #tpu.memory_space<vmem>>
          %dma_start3A_213 = arith.constant 0 : i32
          %dma_start3A_214 = arith.constant 0 : i32
          %dma_start3A_215 = tpu.memref_slice %arg3[%dma_start3A_213, %dma_start3A_214] : memref<8002x64xf32, #tpu.memory_space<hbm>> -> memref<8002x64xf32, #tpu.memory_space<hbm>>
          tpu.enqueue_indirect_dma source(%dma_start3A_215 : memref<8002x64xf32, #tpu.memory_space<hbm>>) target(%dma_start3A_209 : memref<128x64xf32, #tpu.memory_space<vmem>>) offsets(%dma_start3A_212 : memref<128xi32, #tpu.memory_space<vmem>>) semaphore(%arg8 : memref<!tpu.dma_semaphore, #tpu.memory_space<semaphore_mem>>)
          %dma_start3A_216 = arith.constant 0 : i32
          %dma_start3A_217 = arith.constant 0 : i32
          %dma_start3A_218 = arith.constant 128 : i32
          %dma_start3A_219 = arith.constant 0 : i32
          %dma_start3A_220 = tpu.memref_slice %arg7[%dma_start3A_217, %dma_start3A_218, %dma_start3A_219] : memref<3x256x64xf32, #tpu.memory_space<vmem>> -> memref<1x128x64xf32, #tpu.memory_space<vmem>>
          %dma_start3A_221 = tpu.memref_squeeze %dma_start3A_220 : memref<1x128x64xf32, #tpu.memory_space<vmem>> -> memref<128x64xf32, #tpu.memory_space<vmem>>
          %dma_start3A_222 = arith.constant 128 : i32
          %dma_start3A_223 = tpu.memref_slice %arg6[%dma_start3A_216, %dma_start3A_222] : memref<3x256xi32, #tpu.memory_space<vmem>> -> memref<1x128xi32, #tpu.memory_space<vmem>>
          %dma_start3A_224 = tpu.memref_squeeze %dma_start3A_223 : memref<1x128xi32, #tpu.memory_space<vmem>> -> memref<128xi32, #tpu.memory_space<vmem>>
          %dma_start3A_225 = arith.constant 0 : i32
          %dma_start3A_226 = arith.constant 0 : i32
          %dma_start3A_227 = tpu.memref_slice %arg3[%dma_start3A_225, %dma_start3A_226] : memref<8002x64xf32, #tpu.memory_space<hbm>> -> memref<8002x64xf32, #tpu.memory_space<hbm>>
          tpu.enqueue_indirect_dma source(%dma_start3A_227 : memref<8002x64xf32, #tpu.memory_space<hbm>>) target(%dma_start3A_221 : memref<128x64xf32, #tpu.memory_space<vmem>>) offsets(%dma_start3A_224 : memref<128xi32, #tpu.memory_space<vmem>>) semaphore(%arg8 : memref<!tpu.dma_semaphore, #tpu.memory_space<semaphore_mem>>)
        } else {
        }
      } else {
      }
      %mul3A_116 = arith.constant 3 : i32
      %mul3A_117 = arith.muli %scan3A_108, %mul3A_116 : i32
      %add3A_118 = arith.constant 1 : i32
      %add3A_119 = arith.addi %mul3A_117, %add3A_118 : i32
      %lt3A_120 = arith.constant 200 : i32
      %lt3A_121 = arith.cmpi slt, %add3A_119, %lt3A_120 : i32
      %convert_element_type3A_122 = arith.extui %lt3A_121 : i1 to i32
      %cond3A_123 = arith.constant 0 : i32
      %cond3A_124 = arith.cmpi ne, %convert_element_type3A_122, %cond3A_123 : i32
      scf.if %cond3A_124 {
        %dma_wait3A = arith.constant 1 : i32
        %dma_wait3A_135 = arith.constant 1 : i32
        %dma_wait3A_136 = arith.constant 0 : i32
        %dma_wait3A_137 = arith.constant 0 : i32
        %dma_wait3A_138 = tpu.memref_slice %arg7[%dma_wait3A_135, %dma_wait3A_136, %dma_wait3A_137] : memref<3x256x64xf32, #tpu.memory_space<vmem>> -> memref<1x128x64xf32, #tpu.memory_space<vmem>>
        %dma_wait3A_139 = tpu.memref_squeeze %dma_wait3A_138 : memref<1x128x64xf32, #tpu.memory_space<vmem>> -> memref<128x64xf32, #tpu.memory_space<vmem>>
        %dma_wait3A_140 = arith.constant 0 : i32
        %dma_wait3A_141 = tpu.memref_slice %arg6[%dma_wait3A, %dma_wait3A_140] : memref<3x256xi32, #tpu.memory_space<vmem>> -> memref<1x128xi32, #tpu.memory_space<vmem>>
        %dma_wait3A_142 = tpu.memref_squeeze %dma_wait3A_141 : memref<1x128xi32, #tpu.memory_space<vmem>> -> memref<128xi32, #tpu.memory_space<vmem>>
        %dma_wait3A_143 = arith.constant 0 : i32
        %dma_wait3A_144 = arith.constant 0 : i32
        %dma_wait3A_145 = tpu.memref_slice %arg3[%dma_wait3A_143, %dma_wait3A_144] : memref<8002x64xf32, #tpu.memory_space<hbm>> -> memref<8002x64xf32, #tpu.memory_space<hbm>>
        tpu.wait_indirect_dma semaphore(%arg9 : memref<!tpu.dma_semaphore, #tpu.memory_space<semaphore_mem>>) src(%dma_wait3A_145 : memref<8002x64xf32, #tpu.memory_space<hbm>>) dst(%dma_wait3A_139 : memref<128x64xf32, #tpu.memory_space<vmem>>)
        %dma_wait3A_146 = arith.constant 1 : i32
        %dma_wait3A_147 = arith.constant 1 : i32
        %dma_wait3A_148 = arith.constant 128 : i32
        %dma_wait3A_149 = arith.constant 0 : i32
        %dma_wait3A_150 = tpu.memref_slice %arg7[%dma_wait3A_147, %dma_wait3A_148, %dma_wait3A_149] : memref<3x256x64xf32, #tpu.memory_space<vmem>> -> memref<1x128x64xf32, #tpu.memory_space<vmem>>
        %dma_wait3A_151 = tpu.memref_squeeze %dma_wait3A_150 : memref<1x128x64xf32, #tpu.memory_space<vmem>> -> memref<128x64xf32, #tpu.memory_space<vmem>>
        %dma_wait3A_152 = arith.constant 128 : i32
        %dma_wait3A_153 = tpu.memref_slice %arg6[%dma_wait3A_146, %dma_wait3A_152] : memref<3x256xi32, #tpu.memory_space<vmem>> -> memref<1x128xi32, #tpu.memory_space<vmem>>
        %dma_wait3A_154 = tpu.memref_squeeze %dma_wait3A_153 : memref<1x128xi32, #tpu.memory_space<vmem>> -> memref<128xi32, #tpu.memory_space<vmem>>
        %dma_wait3A_155 = arith.constant 0 : i32
        %dma_wait3A_156 = arith.constant 0 : i32
        %dma_wait3A_157 = tpu.memref_slice %arg3[%dma_wait3A_155, %dma_wait3A_156] : memref<8002x64xf32, #tpu.memory_space<hbm>> -> memref<8002x64xf32, #tpu.memory_space<hbm>>
        tpu.wait_indirect_dma semaphore(%arg9 : memref<!tpu.dma_semaphore, #tpu.memory_space<semaphore_mem>>) src(%dma_wait3A_157 : memref<8002x64xf32, #tpu.memory_space<hbm>>) dst(%dma_wait3A_151 : memref<128x64xf32, #tpu.memory_space<vmem>>)
        %mul3A_158 = arith.constant 256 : i32
        %mul3A_159 = arith.muli %add3A_119, %mul3A_158 : i32
        %add3A_160 = arith.addi %mul3A_2, %mul3A_159 : i32
        %dma_start3A_161 = arith.constant 1 : i32
        %dma_start3A_162 = arith.constant 0 : i32
        %dma_start3A_163 = arith.constant 0 : i32
        %dma_start3A_164 = tpu.memref_slice %arg7[%dma_start3A_161, %dma_start3A_162, %dma_start3A_163] : memref<3x256x64xf32, #tpu.memory_space<vmem>> -> memref<1x256x64xf32, #tpu.memory_space<vmem>>
        %dma_start3A_165 = tpu.memref_squeeze %dma_start3A_164 : memref<1x256x64xf32, #tpu.memory_space<vmem>> -> memref<256x64xf32, #tpu.memory_space<vmem>>
        %dma_start3A_166 = arith.constant 0 : i32
        %dma_start3A_167 = tpu.memref_slice %arg4[%add3A_160, %dma_start3A_166] : memref<1638400x64xf32, #tpu.memory_space<hbm>> -> memref<256x64xf32, #tpu.memory_space<hbm>>
        %dma_start3A_168 = arith.constant 0 : i32
        %dma_start3A_169 = tpu.memref_slice %arg4[%add3A_160, %dma_start3A_168] : memref<1638400x64xf32, #tpu.memory_space<hbm>> -> memref<256x64xf32, #tpu.memory_space<hbm>>
        %dma_start3A_170 = arith.constant 0 : i32
        %dma_start3A_171 = arith.constant 0 : i32
        %dma_start3A_172 = tpu.memref_slice %arg7[%dma_start3A_161, %dma_start3A_170, %dma_start3A_171] : memref<3x256x64xf32, #tpu.memory_space<vmem>> -> memref<1x256x64xf32, #tpu.memory_space<vmem>>
        %dma_start3A_173 = tpu.memref_squeeze %dma_start3A_172 : memref<1x256x64xf32, #tpu.memory_space<vmem>> -> memref<256x64xf32, #tpu.memory_space<vmem>>
        tpu.enqueue_dma source(%dma_start3A_173 : memref<256x64xf32, #tpu.memory_space<vmem>>) target(%dma_start3A_169 : memref<256x64xf32, #tpu.memory_space<hbm>>) target_semaphore(%arg12 : memref<!tpu.dma_semaphore, #tpu.memory_space<semaphore_mem>>)
        %add3A_174 = arith.constant 3 : i32
        %add3A_175 = arith.addi %add3A_119, %add3A_174 : i32
        %lt3A_176 = arith.constant 200 : i32
        %lt3A_177 = arith.cmpi slt, %add3A_175, %lt3A_176 : i32
        %convert_element_type3A_178 = arith.extui %lt3A_177 : i1 to i32
        %cond3A_179 = arith.constant 0 : i32
        %cond3A_180 = arith.cmpi ne, %convert_element_type3A_178, %cond3A_179 : i32
        scf.if %cond3A_180 {
          %add3A_204 = arith.constant 3 : i32
          %add3A_205 = arith.addi %add3A_119, %add3A_204 : i32
          %mul3A_206 = arith.constant 256 : i32
          %mul3A_207 = arith.muli %add3A_205, %mul3A_206 : i32
          %scan3A_208 = arith.constant 0 : i32
          %scan3A_209 = arith.constant 0 : i32
          %scan3A_210 = arith.constant 16 : i32
          %scan3A_211 = arith.addi %scan3A_209, %scan3A_210 : i32
          %scan3A_212 = arith.constant 1 : i32
          %scan3A_213 = scf.for %scan3A_215 = %scan3A_209 to %scan3A_211 step %scan3A_212 iter_args(%scan3A_216 = %scan3A_208) -> (i32)  : i32 {
            %mul3A_217 = arith.constant 16 : i32
            %mul3A_218 = arith.muli %scan3A_215, %mul3A_217 : i32
            %add3A_219 = arith.addi %mul3A_207, %mul3A_218 : i32
            %add3A_220 = vector.broadcast %add3A_219 : i32 to vector<16xi32>
            %add3A_221 = arith.addi %add3A_220, %iota3A : vector<16xi32>
            %jit3A = arith.constant 400 : i32
            %div3A = vector.broadcast %jit3A : i32 to vector<16xi32>
            %div3A_222 = arith.divsi %add3A_221, %div3A : vector<16xi32>
            %sign3A = arith.constant 0 : i32
            %sign3A_223 = vector.broadcast %sign3A : i32 to vector<16xi32>
            %sign3A_224 = arith.cmpi sgt, %add3A_221, %sign3A_223 : vector<16xi32>
            %sign3A_225 = arith.extui %sign3A_224 : vector<16xi1> to vector<16xi32>
            %sign3A_226 = arith.constant 0 : i32
            %sign3A_227 = vector.broadcast %sign3A_226 : i32 to vector<16xi32>
            %sign3A_228 = arith.cmpi slt, %add3A_221, %sign3A_227 : vector<16xi32>
            %sign3A_229 = arith.extui %sign3A_228 : vector<16xi1> to vector<16xi32>
            %sign3A_230 = arith.subi %sign3A_225, %sign3A_229 : vector<16xi32>
            %sign3A_231 = arith.constant 0 : i32
            %sign3A_232 = arith.cmpi sgt, %jit3A, %sign3A_231 : i32
            %sign3A_233 = arith.extui %sign3A_232 : i1 to i32
            %sign3A_234 = arith.constant 0 : i32
            %sign3A_235 = arith.cmpi slt, %jit3A, %sign3A_234 : i32
            %sign3A_236 = arith.extui %sign3A_235 : i1 to i32
            %sign3A_237 = arith.subi %sign3A_233, %sign3A_236 : i32
            %ne3A = vector.broadcast %sign3A_237 : i32 to vector<16xi32>
            %ne3A_238 = arith.cmpi ne, %sign3A_230, %ne3A : vector<16xi32>
            %rem3A = vector.broadcast %jit3A : i32 to vector<16xi32>
            %rem3A_239 = arith.remsi %add3A_221, %rem3A : vector<16xi32>
            %ne3A_240 = arith.constant 0 : i32
            %ne3A_241 = vector.broadcast %ne3A_240 : i32 to vector<16xi32>
            %ne3A_242 = arith.cmpi ne, %rem3A_239, %ne3A_241 : vector<16xi32>
            %and3A_243 = arith.andi %ne3A_238, %ne3A_242 : vector<16xi1>
            %sub3A = arith.constant 1 : i32
            %sub3A_244 = vector.broadcast %sub3A : i32 to vector<16xi32>
            %sub3A_245 = arith.subi %div3A_222, %sub3A_244 : vector<16xi32>
            %select_n3A = arith.select %and3A_243, %sub3A_245, %div3A_222 : vector<16xi1>, vector<16xi32>
            %mul3A_246 = arith.constant 400 : i32
            %mul3A_247 = vector.broadcast %mul3A_246 : i32 to vector<16xi32>
            %mul3A_248 = arith.muli %select_n3A, %mul3A_247 : vector<16xi32>
            %sub3A_249 = arith.subi %add3A_221, %mul3A_248 : vector<16xi32>
            %shift_right_arithmetic3A = arith.constant 1 : i32
            %shift_right_arithmetic3A_250 = vector.broadcast %shift_right_arithmetic3A : i32 to vector<16xi32>
            %shift_right_arithmetic3A_251 = arith.shrsi %sub3A_249, %shift_right_arithmetic3A_250 : vector<16xi32>
            %gather3A = tpu.vector_load_idx %arg5[%shift_right_arithmetic3A_251, %and3A_4, %select_n3A] : memref<200x2x128xi32, #tpu.memory_space<vmem>>[vector<16xi32>, vector<16xi32>, vector<16xi32>], vector<16xi32>,
            %add3A_252 = arith.addi %gather3A, %mul3A_7 : vector<16xi32>
            %mul3A_253 = arith.constant 16 : i32
            %mul3A_254 = arith.muli %scan3A_215, %mul3A_253 : i32
            %swap3A = arith.constant 1 : i32
            %swap3A_255 = arith.index_cast %swap3A : i32 to index
            %swap3A_256 = arith.index_cast %mul3A_254 : i32 to index
            %swap3A_257 = tpu.vector_load %arg6[%swap3A_255, %swap3A_256] {strides = array<i32>} : memref<3x256xi32, #tpu.memory_space<vmem>>, vector<16xi32>,
            tpu.vector_store %arg6[%swap3A_255, %swap3A_256], %add3A_252 {strides = array<i32>} : memref<3x256xi32, #tpu.memory_space<vmem>>, vector<16xi32>,
            %scan3A_258 = arith.constant 0 : i32
            scf.yield %scan3A_258 : i32
          }
          %scan3A_214 = arith.constant 16 : i32
        } else {
        }
        %mul3A_181 = arith.constant 256 : i32
        %mul3A_182 = arith.muli %add3A_119, %mul3A_181 : i32
        %add3A_183 = arith.addi %mul3A_2, %mul3A_182 : i32
        %dma_wait3A_184 = arith.constant 1 : i32
        %dma_wait3A_185 = arith.constant 0 : i32
        %dma_wait3A_186 = arith.constant 0 : i32
        %dma_wait3A_187 = tpu.memref_slice %arg7[%dma_wait3A_184, %dma_wait3A_185, %dma_wait3A_186] : memref<3x256x64xf32, #tpu.memory_space<vmem>> -> memref<1x256x64xf32, #tpu.memory_space<vmem>>
        %dma_wait3A_188 = tpu.memref_squeeze %dma_wait3A_187 : memref<1x256x64xf32, #tpu.memory_space<vmem>> -> memref<256x64xf32, #tpu.memory_space<vmem>>
        %dma_wait3A_189 = arith.constant 0 : i32
        %dma_wait3A_190 = tpu.memref_slice %arg4[%add3A_183, %dma_wait3A_189] : memref<1638400x64xf32, #tpu.memory_space<hbm>> -> memref<256x64xf32, #tpu.memory_space<hbm>>
        %dma_wait3A_191 = arith.constant 0 : i32
        %dma_wait3A_192 = tpu.memref_slice %arg4[%add3A_183, %dma_wait3A_191] : memref<1638400x64xf32, #tpu.memory_space<hbm>> -> memref<256x64xf32, #tpu.memory_space<hbm>>
        %dma_wait3A_193 = arith.constant 0 : i32
        %dma_wait3A_194 = arith.constant 0 : i32
        %dma_wait3A_195 = tpu.memref_slice %arg7[%dma_wait3A_184, %dma_wait3A_193, %dma_wait3A_194] : memref<3x256x64xf32, #tpu.memory_space<vmem>> -> memref<1x256x64xf32, #tpu.memory_space<vmem>>
        %dma_wait3A_196 = tpu.memref_squeeze %dma_wait3A_195 : memref<1x256x64xf32, #tpu.memory_space<vmem>> -> memref<256x64xf32, #tpu.memory_space<vmem>>
        tpu.wait_dma2 semaphore(%arg12 : memref<!tpu.dma_semaphore, #tpu.memory_space<semaphore_mem>>) src(%dma_wait3A_196 : memref<256x64xf32, #tpu.memory_space<vmem>>) dst(%dma_wait3A_192 : memref<256x64xf32, #tpu.memory_space<hbm>>)
        %add3A_197 = arith.constant 3 : i32
        %add3A_198 = arith.addi %add3A_119, %add3A_197 : i32
        %lt3A_199 = arith.constant 200 : i32
        %lt3A_200 = arith.cmpi slt, %add3A_198, %lt3A_199 : i32
        %convert_element_type3A_201 = arith.extui %lt3A_200 : i1 to i32
        %cond3A_202 = arith.constant 0 : i32
        %cond3A_203 = arith.cmpi ne, %convert_element_type3A_201, %cond3A_202 : i32
        scf.if %cond3A_203 {
          %dma_start3A_204 = arith.constant 1 : i32
          %dma_start3A_205 = arith.constant 1 : i32
          %dma_start3A_206 = arith.constant 0 : i32
          %dma_start3A_207 = arith.constant 0 : i32
          %dma_start3A_208 = tpu.memref_slice %arg7[%dma_start3A_205, %dma_start3A_206, %dma_start3A_207] : memref<3x256x64xf32, #tpu.memory_space<vmem>> -> memref<1x128x64xf32, #tpu.memory_space<vmem>>
          %dma_start3A_209 = tpu.memref_squeeze %dma_start3A_208 : memref<1x128x64xf32, #tpu.memory_space<vmem>> -> memref<128x64xf32, #tpu.memory_space<vmem>>
          %dma_start3A_210 = arith.constant 0 : i32
          %dma_start3A_211 = tpu.memref_slice %arg6[%dma_start3A_204, %dma_start3A_210] : memref<3x256xi32, #tpu.memory_space<vmem>> -> memref<1x128xi32, #tpu.memory_space<vmem>>
          %dma_start3A_212 = tpu.memref_squeeze %dma_start3A_211 : memref<1x128xi32, #tpu.memory_space<vmem>> -> memref<128xi32, #tpu.memory_space<vmem>>
          %dma_start3A_213 = arith.constant 0 : i32
          %dma_start3A_214 = arith.constant 0 : i32
          %dma_start3A_215 = tpu.memref_slice %arg3[%dma_start3A_213, %dma_start3A_214] : memref<8002x64xf32, #tpu.memory_space<hbm>> -> memref<8002x64xf32, #tpu.memory_space<hbm>>
          tpu.enqueue_indirect_dma source(%dma_start3A_215 : memref<8002x64xf32, #tpu.memory_space<hbm>>) target(%dma_start3A_209 : memref<128x64xf32, #tpu.memory_space<vmem>>) offsets(%dma_start3A_212 : memref<128xi32, #tpu.memory_space<vmem>>) semaphore(%arg9 : memref<!tpu.dma_semaphore, #tpu.memory_space<semaphore_mem>>)
          %dma_start3A_216 = arith.constant 1 : i32
          %dma_start3A_217 = arith.constant 1 : i32
          %dma_start3A_218 = arith.constant 128 : i32
          %dma_start3A_219 = arith.constant 0 : i32
          %dma_start3A_220 = tpu.memref_slice %arg7[%dma_start3A_217, %dma_start3A_218, %dma_start3A_219] : memref<3x256x64xf32, #tpu.memory_space<vmem>> -> memref<1x128x64xf32, #tpu.memory_space<vmem>>
          %dma_start3A_221 = tpu.memref_squeeze %dma_start3A_220 : memref<1x128x64xf32, #tpu.memory_space<vmem>> -> memref<128x64xf32, #tpu.memory_space<vmem>>
          %dma_start3A_222 = arith.constant 128 : i32
          %dma_start3A_223 = tpu.memref_slice %arg6[%dma_start3A_216, %dma_start3A_222] : memref<3x256xi32, #tpu.memory_space<vmem>> -> memref<1x128xi32, #tpu.memory_space<vmem>>
          %dma_start3A_224 = tpu.memref_squeeze %dma_start3A_223 : memref<1x128xi32, #tpu.memory_space<vmem>> -> memref<128xi32, #tpu.memory_space<vmem>>
          %dma_start3A_225 = arith.constant 0 : i32
          %dma_start3A_226 = arith.constant 0 : i32
          %dma_start3A_227 = tpu.memref_slice %arg3[%dma_start3A_225, %dma_start3A_226] : memref<8002x64xf32, #tpu.memory_space<hbm>> -> memref<8002x64xf32, #tpu.memory_space<hbm>>
          tpu.enqueue_indirect_dma source(%dma_start3A_227 : memref<8002x64xf32, #tpu.memory_space<hbm>>) target(%dma_start3A_221 : memref<128x64xf32, #tpu.memory_space<vmem>>) offsets(%dma_start3A_224 : memref<128xi32, #tpu.memory_space<vmem>>) semaphore(%arg9 : memref<!tpu.dma_semaphore, #tpu.memory_space<semaphore_mem>>)
        } else {
        }
      } else {
      }
      %mul3A_125 = arith.constant 3 : i32
      %mul3A_126 = arith.muli %scan3A_108, %mul3A_125 : i32
      %add3A_127 = arith.constant 2 : i32
      %add3A_128 = arith.addi %mul3A_126, %add3A_127 : i32
      %lt3A_129 = arith.constant 200 : i32
      %lt3A_130 = arith.cmpi slt, %add3A_128, %lt3A_129 : i32
      %convert_element_type3A_131 = arith.extui %lt3A_130 : i1 to i32
      %cond3A_132 = arith.constant 0 : i32
      %cond3A_133 = arith.cmpi ne, %convert_element_type3A_131, %cond3A_132 : i32
      scf.if %cond3A_133 {
        %dma_wait3A = arith.constant 2 : i32
        %dma_wait3A_135 = arith.constant 2 : i32
        %dma_wait3A_136 = arith.constant 0 : i32
        %dma_wait3A_137 = arith.constant 0 : i32
        %dma_wait3A_138 = tpu.memref_slice %arg7[%dma_wait3A_135, %dma_wait3A_136, %dma_wait3A_137] : memref<3x256x64xf32, #tpu.memory_space<vmem>> -> memref<1x128x64xf32, #tpu.memory_space<vmem>>
        %dma_wait3A_139 = tpu.memref_squeeze %dma_wait3A_138 : memref<1x128x64xf32, #tpu.memory_space<vmem>> -> memref<128x64xf32, #tpu.memory_space<vmem>>
        %dma_wait3A_140 = arith.constant 0 : i32
        %dma_wait3A_141 = tpu.memref_slice %arg6[%dma_wait3A, %dma_wait3A_140] : memref<3x256xi32, #tpu.memory_space<vmem>> -> memref<1x128xi32, #tpu.memory_space<vmem>>
        %dma_wait3A_142 = tpu.memref_squeeze %dma_wait3A_141 : memref<1x128xi32, #tpu.memory_space<vmem>> -> memref<128xi32, #tpu.memory_space<vmem>>
        %dma_wait3A_143 = arith.constant 0 : i32
        %dma_wait3A_144 = arith.constant 0 : i32
        %dma_wait3A_145 = tpu.memref_slice %arg3[%dma_wait3A_143, %dma_wait3A_144] : memref<8002x64xf32, #tpu.memory_space<hbm>> -> memref<8002x64xf32, #tpu.memory_space<hbm>>
        tpu.wait_indirect_dma semaphore(%arg10 : memref<!tpu.dma_semaphore, #tpu.memory_space<semaphore_mem>>) src(%dma_wait3A_145 : memref<8002x64xf32, #tpu.memory_space<hbm>>) dst(%dma_wait3A_139 : memref<128x64xf32, #tpu.memory_space<vmem>>)
        %dma_wait3A_146 = arith.constant 2 : i32
        %dma_wait3A_147 = arith.constant 2 : i32
        %dma_wait3A_148 = arith.constant 128 : i32
        %dma_wait3A_149 = arith.constant 0 : i32
        %dma_wait3A_150 = tpu.memref_slice %arg7[%dma_wait3A_147, %dma_wait3A_148, %dma_wait3A_149] : memref<3x256x64xf32, #tpu.memory_space<vmem>> -> memref<1x128x64xf32, #tpu.memory_space<vmem>>
        %dma_wait3A_151 = tpu.memref_squeeze %dma_wait3A_150 : memref<1x128x64xf32, #tpu.memory_space<vmem>> -> memref<128x64xf32, #tpu.memory_space<vmem>>
        %dma_wait3A_152 = arith.constant 128 : i32
        %dma_wait3A_153 = tpu.memref_slice %arg6[%dma_wait3A_146, %dma_wait3A_152] : memref<3x256xi32, #tpu.memory_space<vmem>> -> memref<1x128xi32, #tpu.memory_space<vmem>>
        %dma_wait3A_154 = tpu.memref_squeeze %dma_wait3A_153 : memref<1x128xi32, #tpu.memory_space<vmem>> -> memref<128xi32, #tpu.memory_space<vmem>>
        %dma_wait3A_155 = arith.constant 0 : i32
        %dma_wait3A_156 = arith.constant 0 : i32
        %dma_wait3A_157 = tpu.memref_slice %arg3[%dma_wait3A_155, %dma_wait3A_156] : memref<8002x64xf32, #tpu.memory_space<hbm>> -> memref<8002x64xf32, #tpu.memory_space<hbm>>
        tpu.wait_indirect_dma semaphore(%arg10 : memref<!tpu.dma_semaphore, #tpu.memory_space<semaphore_mem>>) src(%dma_wait3A_157 : memref<8002x64xf32, #tpu.memory_space<hbm>>) dst(%dma_wait3A_151 : memref<128x64xf32, #tpu.memory_space<vmem>>)
        %mul3A_158 = arith.constant 256 : i32
        %mul3A_159 = arith.muli %add3A_128, %mul3A_158 : i32
        %add3A_160 = arith.addi %mul3A_2, %mul3A_159 : i32
        %dma_start3A_161 = arith.constant 2 : i32
        %dma_start3A_162 = arith.constant 0 : i32
        %dma_start3A_163 = arith.constant 0 : i32
        %dma_start3A_164 = tpu.memref_slice %arg7[%dma_start3A_161, %dma_start3A_162, %dma_start3A_163] : memref<3x256x64xf32, #tpu.memory_space<vmem>> -> memref<1x256x64xf32, #tpu.memory_space<vmem>>
        %dma_start3A_165 = tpu.memref_squeeze %dma_start3A_164 : memref<1x256x64xf32, #tpu.memory_space<vmem>> -> memref<256x64xf32, #tpu.memory_space<vmem>>
        %dma_start3A_166 = arith.constant 0 : i32
        %dma_start3A_167 = tpu.memref_slice %arg4[%add3A_160, %dma_start3A_166] : memref<1638400x64xf32, #tpu.memory_space<hbm>> -> memref<256x64xf32, #tpu.memory_space<hbm>>
        %dma_start3A_168 = arith.constant 0 : i32
        %dma_start3A_169 = tpu.memref_slice %arg4[%add3A_160, %dma_start3A_168] : memref<1638400x64xf32, #tpu.memory_space<hbm>> -> memref<256x64xf32, #tpu.memory_space<hbm>>
        %dma_start3A_170 = arith.constant 0 : i32
        %dma_start3A_171 = arith.constant 0 : i32
        %dma_start3A_172 = tpu.memref_slice %arg7[%dma_start3A_161, %dma_start3A_170, %dma_start3A_171] : memref<3x256x64xf32, #tpu.memory_space<vmem>> -> memref<1x256x64xf32, #tpu.memory_space<vmem>>
        %dma_start3A_173 = tpu.memref_squeeze %dma_start3A_172 : memref<1x256x64xf32, #tpu.memory_space<vmem>> -> memref<256x64xf32, #tpu.memory_space<vmem>>
        tpu.enqueue_dma source(%dma_start3A_173 : memref<256x64xf32, #tpu.memory_space<vmem>>) target(%dma_start3A_169 : memref<256x64xf32, #tpu.memory_space<hbm>>) target_semaphore(%arg13 : memref<!tpu.dma_semaphore, #tpu.memory_space<semaphore_mem>>)
        %add3A_174 = arith.constant 3 : i32
        %add3A_175 = arith.addi %add3A_128, %add3A_174 : i32
        %lt3A_176 = arith.constant 200 : i32
        %lt3A_177 = arith.cmpi slt, %add3A_175, %lt3A_176 : i32
        %convert_element_type3A_178 = arith.extui %lt3A_177 : i1 to i32
        %cond3A_179 = arith.constant 0 : i32
        %cond3A_180 = arith.cmpi ne, %convert_element_type3A_178, %cond3A_179 : i32
        scf.if %cond3A_180 {
          %add3A_204 = arith.constant 3 : i32
          %add3A_205 = arith.addi %add3A_128, %add3A_204 : i32
          %mul3A_206 = arith.constant 256 : i32
          %mul3A_207 = arith.muli %add3A_205, %mul3A_206 : i32
          %scan3A_208 = arith.constant 0 : i32
          %scan3A_209 = arith.constant 0 : i32
          %scan3A_210 = arith.constant 16 : i32
          %scan3A_211 = arith.addi %scan3A_209, %scan3A_210 : i32
          %scan3A_212 = arith.constant 1 : i32
          %scan3A_213 = scf.for %scan3A_215 = %scan3A_209 to %scan3A_211 step %scan3A_212 iter_args(%scan3A_216 = %scan3A_208) -> (i32)  : i32 {
            %mul3A_217 = arith.constant 16 : i32
            %mul3A_218 = arith.muli %scan3A_215, %mul3A_217 : i32
            %add3A_219 = arith.addi %mul3A_207, %mul3A_218 : i32
            %add3A_220 = vector.broadcast %add3A_219 : i32 to vector<16xi32>
            %add3A_221 = arith.addi %add3A_220, %iota3A : vector<16xi32>
            %jit3A = arith.constant 400 : i32
            %div3A = vector.broadcast %jit3A : i32 to vector<16xi32>
            %div3A_222 = arith.divsi %add3A_221, %div3A : vector<16xi32>
            %sign3A = arith.constant 0 : i32
            %sign3A_223 = vector.broadcast %sign3A : i32 to vector<16xi32>
            %sign3A_224 = arith.cmpi sgt, %add3A_221, %sign3A_223 : vector<16xi32>
            %sign3A_225 = arith.extui %sign3A_224 : vector<16xi1> to vector<16xi32>
            %sign3A_226 = arith.constant 0 : i32
            %sign3A_227 = vector.broadcast %sign3A_226 : i32 to vector<16xi32>
            %sign3A_228 = arith.cmpi slt, %add3A_221, %sign3A_227 : vector<16xi32>
            %sign3A_229 = arith.extui %sign3A_228 : vector<16xi1> to vector<16xi32>
            %sign3A_230 = arith.subi %sign3A_225, %sign3A_229 : vector<16xi32>
            %sign3A_231 = arith.constant 0 : i32
            %sign3A_232 = arith.cmpi sgt, %jit3A, %sign3A_231 : i32
            %sign3A_233 = arith.extui %sign3A_232 : i1 to i32
            %sign3A_234 = arith.constant 0 : i32
            %sign3A_235 = arith.cmpi slt, %jit3A, %sign3A_234 : i32
            %sign3A_236 = arith.extui %sign3A_235 : i1 to i32
            %sign3A_237 = arith.subi %sign3A_233, %sign3A_236 : i32
            %ne3A = vector.broadcast %sign3A_237 : i32 to vector<16xi32>
            %ne3A_238 = arith.cmpi ne, %sign3A_230, %ne3A : vector<16xi32>
            %rem3A = vector.broadcast %jit3A : i32 to vector<16xi32>
            %rem3A_239 = arith.remsi %add3A_221, %rem3A : vector<16xi32>
            %ne3A_240 = arith.constant 0 : i32
            %ne3A_241 = vector.broadcast %ne3A_240 : i32 to vector<16xi32>
            %ne3A_242 = arith.cmpi ne, %rem3A_239, %ne3A_241 : vector<16xi32>
            %and3A_243 = arith.andi %ne3A_238, %ne3A_242 : vector<16xi1>
            %sub3A = arith.constant 1 : i32
            %sub3A_244 = vector.broadcast %sub3A : i32 to vector<16xi32>
            %sub3A_245 = arith.subi %div3A_222, %sub3A_244 : vector<16xi32>
            %select_n3A = arith.select %and3A_243, %sub3A_245, %div3A_222 : vector<16xi1>, vector<16xi32>
            %mul3A_246 = arith.constant 400 : i32
            %mul3A_247 = vector.broadcast %mul3A_246 : i32 to vector<16xi32>
            %mul3A_248 = arith.muli %select_n3A, %mul3A_247 : vector<16xi32>
            %sub3A_249 = arith.subi %add3A_221, %mul3A_248 : vector<16xi32>
            %shift_right_arithmetic3A = arith.constant 1 : i32
            %shift_right_arithmetic3A_250 = vector.broadcast %shift_right_arithmetic3A : i32 to vector<16xi32>
            %shift_right_arithmetic3A_251 = arith.shrsi %sub3A_249, %shift_right_arithmetic3A_250 : vector<16xi32>
            %gather3A = tpu.vector_load_idx %arg5[%shift_right_arithmetic3A_251, %and3A_4, %select_n3A] : memref<200x2x128xi32, #tpu.memory_space<vmem>>[vector<16xi32>, vector<16xi32>, vector<16xi32>], vector<16xi32>,
            %add3A_252 = arith.addi %gather3A, %mul3A_7 : vector<16xi32>
            %mul3A_253 = arith.constant 16 : i32
            %mul3A_254 = arith.muli %scan3A_215, %mul3A_253 : i32
            %swap3A = arith.constant 2 : i32
            %swap3A_255 = arith.index_cast %swap3A : i32 to index
            %swap3A_256 = arith.index_cast %mul3A_254 : i32 to index
            %swap3A_257 = tpu.vector_load %arg6[%swap3A_255, %swap3A_256] {strides = array<i32>} : memref<3x256xi32, #tpu.memory_space<vmem>>, vector<16xi32>,
            tpu.vector_store %arg6[%swap3A_255, %swap3A_256], %add3A_252 {strides = array<i32>} : memref<3x256xi32, #tpu.memory_space<vmem>>, vector<16xi32>,
            %scan3A_258 = arith.constant 0 : i32
            scf.yield %scan3A_258 : i32
          }
          %scan3A_214 = arith.constant 16 : i32
        } else {
        }
        %mul3A_181 = arith.constant 256 : i32
        %mul3A_182 = arith.muli %add3A_128, %mul3A_181 : i32
        %add3A_183 = arith.addi %mul3A_2, %mul3A_182 : i32
        %dma_wait3A_184 = arith.constant 2 : i32
        %dma_wait3A_185 = arith.constant 0 : i32
        %dma_wait3A_186 = arith.constant 0 : i32
        %dma_wait3A_187 = tpu.memref_slice %arg7[%dma_wait3A_184, %dma_wait3A_185, %dma_wait3A_186] : memref<3x256x64xf32, #tpu.memory_space<vmem>> -> memref<1x256x64xf32, #tpu.memory_space<vmem>>
        %dma_wait3A_188 = tpu.memref_squeeze %dma_wait3A_187 : memref<1x256x64xf32, #tpu.memory_space<vmem>> -> memref<256x64xf32, #tpu.memory_space<vmem>>
        %dma_wait3A_189 = arith.constant 0 : i32
        %dma_wait3A_190 = tpu.memref_slice %arg4[%add3A_183, %dma_wait3A_189] : memref<1638400x64xf32, #tpu.memory_space<hbm>> -> memref<256x64xf32, #tpu.memory_space<hbm>>
        %dma_wait3A_191 = arith.constant 0 : i32
        %dma_wait3A_192 = tpu.memref_slice %arg4[%add3A_183, %dma_wait3A_191] : memref<1638400x64xf32, #tpu.memory_space<hbm>> -> memref<256x64xf32, #tpu.memory_space<hbm>>
        %dma_wait3A_193 = arith.constant 0 : i32
        %dma_wait3A_194 = arith.constant 0 : i32
        %dma_wait3A_195 = tpu.memref_slice %arg7[%dma_wait3A_184, %dma_wait3A_193, %dma_wait3A_194] : memref<3x256x64xf32, #tpu.memory_space<vmem>> -> memref<1x256x64xf32, #tpu.memory_space<vmem>>
        %dma_wait3A_196 = tpu.memref_squeeze %dma_wait3A_195 : memref<1x256x64xf32, #tpu.memory_space<vmem>> -> memref<256x64xf32, #tpu.memory_space<vmem>>
        tpu.wait_dma2 semaphore(%arg13 : memref<!tpu.dma_semaphore, #tpu.memory_space<semaphore_mem>>) src(%dma_wait3A_196 : memref<256x64xf32, #tpu.memory_space<vmem>>) dst(%dma_wait3A_192 : memref<256x64xf32, #tpu.memory_space<hbm>>)
        %add3A_197 = arith.constant 3 : i32
        %add3A_198 = arith.addi %add3A_128, %add3A_197 : i32
        %lt3A_199 = arith.constant 200 : i32
        %lt3A_200 = arith.cmpi slt, %add3A_198, %lt3A_199 : i32
        %convert_element_type3A_201 = arith.extui %lt3A_200 : i1 to i32
        %cond3A_202 = arith.constant 0 : i32
        %cond3A_203 = arith.cmpi ne, %convert_element_type3A_201, %cond3A_202 : i32
        scf.if %cond3A_203 {
          %dma_start3A_204 = arith.constant 2 : i32
          %dma_start3A_205 = arith.constant 2 : i32
          %dma_start3A_206 = arith.constant 0 : i32
          %dma_start3A_207 = arith.constant 0 : i32
          %dma_start3A_208 = tpu.memref_slice %arg7[%dma_start3A_205, %dma_start3A_206, %dma_start3A_207] : memref<3x256x64xf32, #tpu.memory_space<vmem>> -> memref<1x128x64xf32, #tpu.memory_space<vmem>>
          %dma_start3A_209 = tpu.memref_squeeze %dma_start3A_208 : memref<1x128x64xf32, #tpu.memory_space<vmem>> -> memref<128x64xf32, #tpu.memory_space<vmem>>
          %dma_start3A_210 = arith.constant 0 : i32
          %dma_start3A_211 = tpu.memref_slice %arg6[%dma_start3A_204, %dma_start3A_210] : memref<3x256xi32, #tpu.memory_space<vmem>> -> memref<1x128xi32, #tpu.memory_space<vmem>>
          %dma_start3A_212 = tpu.memref_squeeze %dma_start3A_211 : memref<1x128xi32, #tpu.memory_space<vmem>> -> memref<128xi32, #tpu.memory_space<vmem>>
          %dma_start3A_213 = arith.constant 0 : i32
          %dma_start3A_214 = arith.constant 0 : i32
          %dma_start3A_215 = tpu.memref_slice %arg3[%dma_start3A_213, %dma_start3A_214] : memref<8002x64xf32, #tpu.memory_space<hbm>> -> memref<8002x64xf32, #tpu.memory_space<hbm>>
          tpu.enqueue_indirect_dma source(%dma_start3A_215 : memref<8002x64xf32, #tpu.memory_space<hbm>>) target(%dma_start3A_209 : memref<128x64xf32, #tpu.memory_space<vmem>>) offsets(%dma_start3A_212 : memref<128xi32, #tpu.memory_space<vmem>>) semaphore(%arg10 : memref<!tpu.dma_semaphore, #tpu.memory_space<semaphore_mem>>)
          %dma_start3A_216 = arith.constant 2 : i32
          %dma_start3A_217 = arith.constant 2 : i32
          %dma_start3A_218 = arith.constant 128 : i32
          %dma_start3A_219 = arith.constant 0 : i32
          %dma_start3A_220 = tpu.memref_slice %arg7[%dma_start3A_217, %dma_start3A_218, %dma_start3A_219] : memref<3x256x64xf32, #tpu.memory_space<vmem>> -> memref<1x128x64xf32, #tpu.memory_space<vmem>>
          %dma_start3A_221 = tpu.memref_squeeze %dma_start3A_220 : memref<1x128x64xf32, #tpu.memory_space<vmem>> -> memref<128x64xf32, #tpu.memory_space<vmem>>
          %dma_start3A_222 = arith.constant 128 : i32
          %dma_start3A_223 = tpu.memref_slice %arg6[%dma_start3A_216, %dma_start3A_222] : memref<3x256xi32, #tpu.memory_space<vmem>> -> memref<1x128xi32, #tpu.memory_space<vmem>>
          %dma_start3A_224 = tpu.memref_squeeze %dma_start3A_223 : memref<1x128xi32, #tpu.memory_space<vmem>> -> memref<128xi32, #tpu.memory_space<vmem>>
          %dma_start3A_225 = arith.constant 0 : i32
          %dma_start3A_226 = arith.constant 0 : i32
          %dma_start3A_227 = tpu.memref_slice %arg3[%dma_start3A_225, %dma_start3A_226] : memref<8002x64xf32, #tpu.memory_space<hbm>> -> memref<8002x64xf32, #tpu.memory_space<hbm>>
          tpu.enqueue_indirect_dma source(%dma_start3A_227 : memref<8002x64xf32, #tpu.memory_space<hbm>>) target(%dma_start3A_221 : memref<128x64xf32, #tpu.memory_space<vmem>>) offsets(%dma_start3A_224 : memref<128xi32, #tpu.memory_space<vmem>>) semaphore(%arg10 : memref<!tpu.dma_semaphore, #tpu.memory_space<semaphore_mem>>)
        } else {
        }
      } else {
      }
      %scan3A_134 = arith.constant 0 : i32
      scf.yield %scan3A_134 : i32
    }
    %scan3A_107 = arith.constant 67 : i32
    return
  }
}

</mosaic_0001>

<sc_bundles>
// kernel: _sc_gather.3.cloned.1.call-start
scs
__scs_entry_jumppad:
0x0: {  	(pc) =	sbr.rel $0x88, $3  }
0x1: {  	(tag) =	ssettag $0x0;
	lr =	simm.s32 $0x1  }
0x2: {  	[smem:$0x3F9F] =	sst lr;
	_ =	strace $0xD0000000  }
0x3: {  	_ = 	snop  }
0x4: {  	_ = 	snop  }
0x5: {  	_ = 	snop  }
0x6: {  	_ = 	snop  }
0x7: {  	_ = 	snop  }
__scs_overlays_trampoline_lowered:
0x8: {  	[smem:$0x3FAE] =	sst s0  }
0x9: {  	[smem:$0x3FAF] =	sst s1  }
0xa: {  	[smem:$0x3FB0] =	sst s2  }
0xb: {  	[smem:$0x3FB1] =	sst s3  }
0xc: {  	[smem:$0x3FB2] =	sst s4  }
0xd: {  	[smem:$0x3FB3] =	sst s5  }
0xe: {  	[smem:$0x3FB4] =	sst s6  }
0xf: {  	[smem:$0x3FB5] =	sst s7  }
0x10: {  	[smem:$0x3FB6] =	sst s8  }
0x11: {  	[smem:$0x3FB7] =	sst s9;
	s0 =	simm.s32 @!p0 $0x0  }
0x12: {  	s1 =	sld [smem:$0x3F9D];
	s0 =	simm.s32 @p0 $0x1  }
0x13: {  	[smem:$0x3FB8] =	sst s0;
	s0 =	simm.s32 @!p1 $0x0  }
0x14: {  	s2 =	sld [smem:$0x3F9C];
	s0 =	simm.s32 @p1 $0x1  }
0x15: {  	[smem:$0x3FB9] =	sst s0;
	s0 =	simm.s32 @!p2 $0x0  }
0x16: {  	s3 =	sld [smem:$0x3FDB];
	s0 =	simm.s32 @p2 $0x1  }
0x17: {  	s4 =	simm.s32 $0x1BF5;
	[smem:$0x3FBB] =	sst s0  }
0x18: {  	s0 =	sld [smem:$0x3F9E];
	_ =	swait.ge [sflag:s4], $0x0  }
0x19: {  	s7 =	sld [smem:$0x3F9F]  }
0x1a: {  	s8 =	sadd.s32 $0xFFFFE003, lr  }
0x1b: {  	s9 =	sadd.s32 $0xFFFFFEF7, lr;
	s5 =	simm.s32 $0xFFFFFFFF;
	p2 =	slt.u32 s8, $0xFFFFF086  }
0x1c: {  	p1 =	slt.u32 s9, $0xF7A;
	s5 =	simm.s32 @!p2 $0x0  }
0x1d: {  	s5 =	simm.s32 @p1 $0x1;
	p0 =	seq.s32 s7, s2  }
0x1e: {  	s7 =	smul.u32 @!p0 $0xF7A, s2;
	p2 =	seq.s32 @!p0 s5, $0x0  }
0x1f: {  	s9 =	smul.u32 $0xF7A, s1;
	s8 =	simm.s32 @!p0 $0x1BF5;
	p2 =	por !p2, p0  }
0x20: {  	[sflag:s8] =	ssyncset.s32 @!p0 $0xFFFFF086;
	s6 =	sadd.s32 @!p0 s3, s7;
	s7 =	simm.s32 @!p0 $0x108  }
0x21: {  	s3 =	sadd.s32 s3, s9;
	s6 =	sadd.s32 @!p0 $0x88, s6;
	s7 =	simm.s32 @p2 $0x1082  }
0x22: {  	[simem:s7], [sflag:s8] =	dma.local @!p0 [hbm:s6], $0xF7A  }
0x23: {  	s9 =	sor.u32 $0xD0000000, s2;
	s6 =	simm.s32 $0x108;
	_ =	swait.ge @!p0 [sflag:s8], $0x0  }
0x24: {  	s3 =	sadd.s32 $0x88, s3;
	s6 =	simm.s32 @!p1 $0x1082;
	[sflag:s4] =	ssyncset.s32 $0xFFFFF086  }
0x25: {  	[simem:s6], [sflag:s4] =	dma.local [hbm:s3], $0xF7A  }
0x26: {  	[smem:$0x3F9F] =	sst s1;
	(tag) =	ssettag s2;
	_ =	strace s9  }
0x27: {  	s1 =	sld [smem:$0x3FAF]  }
0x28: {  	s2 =	sld [smem:$0x3FB0]  }
0x29: {  	s4 =	sld [smem:$0x3FB2]  }
0x2a: {  	p0 =	seq.s32 s5, $0x0;
	s5 =	sld [smem:$0x3FB3]  }
0x2b: {  	s6 =	sld [smem:$0x3FB4]  }
0x2c: {  	s7 =	sld [smem:$0x3FB5]  }
0x2d: {  	s3 =	simm.s32 $0x108;
	s8 =	sld [smem:$0x3FB6]  }
0x2e: {  	s3 =	simm.s32 @!p0 $0x1082;
	s9 =	sld [smem:$0x3FB7]  }
0x2f: {  	lr =	sadd.s32 s0, s3;
	s0 =	sld [smem:$0x3FAE]  }
0x30: {  	s3 =	sld [smem:$0x3FB1]  }
0x31: {  	[smem:$0x3FBA] =	sst s10  }
0x32: {  	s10 =	sld [smem:$0x3FB8];
	_ =	sdelay $0x3  }
0x33: {  	p0 =	seq.s32 s10, $0x1;
	s10 =	sld [smem:$0x3FBA];
	_ =	sdelay $0x3  }
0x34: {  	[smem:$0x3FBA] =	sst s10  }
0x35: {  	s10 =	sld [smem:$0x3FB9];
	_ =	sdelay $0x3  }
0x36: {  	p1 =	seq.s32 s10, $0x1;
	s10 =	sld [smem:$0x3FBA];
	_ =	sdelay $0x3  }
0x37: {  	[smem:$0x3FBA] =	sst s10  }
0x38: {  	s10 =	sld [smem:$0x3FBB]  }
0x39: {  	_ = 	snop;
	(pc) =	sbr.ind lr, $3  }
0x3a: {  	_ = 	snop  }
0x3b: {  	_ = 	snop  }
0x3c: {  	p2 =	seq.s32 s10, $0x1;
	s10 =	sld [smem:$0x3FBA]  }
0x3d: {  	_ =	shalt  }
0x3e: {  	_ =	shalt  }
0x3f: {  	_ =	shalt  }
0x40: {  	_ =	shalt  }
0x41: {  	_ =	shalt  }
0x42: {  	_ =	shalt  }
0x43: {  	_ =	shalt  }
0x44: {  	_ =	shalt  }
0x45: {  	_ =	shalt  }
0x46: {  	_ =	shalt  }
0x47: {  	_ =	shalt  }
0x48: {  	_ =	shalt  }
0x49: {  	_ =	shalt  }
0x4a: {  	_ =	shalt  }
0x4b: {  	_ =	shalt  }
0x4c: {  	_ =	shalt  }
0x4d: {  	_ =	shalt  }
0x4e: {  	_ =	shalt  }
0x4f: {  	_ =	shalt  }
0x50: {  	_ =	shalt  }
0x51: {  	_ =	shalt  }
0x52: {  	_ =	shalt  }
0x53: {  	_ =	shalt  }
0x54: {  	_ =	shalt  }
0x55: {  	_ =	shalt  }
0x56: {  	_ =	shalt  }
0x57: {  	_ =	shalt  }
0x58: {  	_ =	shalt  }
0x59: {  	_ =	shalt  }
0x5a: {  	_ =	shalt  }
0x5b: {  	_ =	shalt  }
0x5c: {  	_ =	shalt  }
0x5d: {  	_ =	shalt  }
0x5e: {  	_ =	shalt  }
0x5f: {  	_ =	shalt  }
0x60: {  	_ =	shalt  }
0x61: {  	_ =	shalt  }
0x62: {  	_ =	shalt  }
0x63: {  	_ =	shalt  }
0x64: {  	_ =	shalt  }
0x65: {  	_ =	shalt  }
0x66: {  	_ =	shalt  }
0x67: {  	_ =	shalt  }
0x68: {  	_ =	shalt  }
0x69: {  	_ =	shalt  }
0x6a: {  	_ =	shalt  }
0x6b: {  	_ =	shalt  }
0x6c: {  	_ =	shalt  }
0x6d: {  	_ =	shalt  }
0x6e: {  	_ =	shalt  }
0x6f: {  	_ =	shalt  }
0x70: {  	_ =	shalt  }
0x71: {  	_ =	shalt  }
0x72: {  	_ =	shalt  }
0x73: {  	_ =	shalt  }
0x74: {  	_ =	shalt  }
0x75: {  	_ =	shalt  }
0x76: {  	_ =	shalt  }
0x77: {  	_ =	shalt  }
0x78: {  	_ =	shalt  }
0x79: {  	_ =	shalt  }
0x7a: {  	_ =	shalt  }
0x7b: {  	_ =	shalt  }
0x7c: {  	_ =	shalt  }
0x7d: {  	_ =	shalt  }
0x7e: {  	_ =	shalt  }
0x7f: {  	_ =	shalt  }
0x80: {  	_ =	shalt  }
0x81: {  	_ =	shalt  }
0x82: {  	_ =	shalt  }
0x83: {  	_ =	shalt  }
0x84: {  	_ =	shalt  }
0x85: {  	_ =	shalt  }
0x86: {  	_ =	shalt  }
0x87: {  	_ =	shalt  }
.Lfunc_end0:
.L_simem_size_0:
called_computation.1_lowered:
.L_overlay_start_0:
0x88: {  	s2 =	sld [smem:$0x3FD9]  }
0x89: {  	s3 =	sld [smem:$0x3FFE];
	_ =	sdelay $0x1  }
0x8a: {  	s1 =	srdreg.scid  }
0x8b: {  	s0 =	sand.u32 $0x1, s1  }
0x8c: {  	s17 =	sshll.u32 s0, $0xA;
	s2 =	sadd.s32 s3, s2  }
0x8d: {  	s2 =	sadd.s32 s2, s17  }
0x8e: {  	[smem:$0x3FC6] =	sst s2  }
0x8f: {  	_ = 	snop  }
0x90: {  	s2 =	sld [smem:$0x3FC9]  }
0x91: {  	s18 =	sld [smem:$0x3FD0];
	(tm) =	ssettm $0x1  }
0x92: {  	s4 =	sld [smem:$0x3FFB];
	_ =	sdelay $0x3  }
0x93: {  	_ =	strace s4  }
0x94: {  	s4 =	sld [smem:$0x3FFC];
	_ =	sdelay $0x3  }
0x95: {  	_ =	strace s4  }
0x96: {  	s4 =	sld [smem:$0x3FFD];
	_ =	sdelay $0x3  }
0x97: {  	_ =	strace s4  }
0x98: {  	_ =	strace $0x8FFFFFFF  }
0x99: {  	s19 =	sld [smem:$0x3FDB];
	_ =	sdelay $0x1  }
0x9a: {  	s5 =	simm.s32 $_scs_section_size  }
0x9b: {  	s6 =	simm.s32 $_size__tile_overlayer_lowered;
	s7 =	simm.s32 $_tile_overlayer_lowered  }
0x9c: {  	s22 =	simm.s32 $0x1BFF;
	s21 =	sshll.u32 s7, $0x1;
	s4 =	sadd.s32 s5, s19  }
0x9d: {  	s8 =	simm.s32 $0x0;
	s20 =	sshll.u32 s6, $0x1;
	s6 =	sadd.s32 s21, s4  }
0x9e: {  	[timem:s8], [sflag:s22] =	dma.local [hbm:s6], s20  }
0x9f: {  	_ =	swait.ge [sflag:s22], s20  }
0xa0: {  	s5 =	ssub.s32 $0x0, s20;
	[sflag:s22] =	ssyncset.done $0x0  }
0xa1: {  	[sflag:s22] =	ssyncadd.s32 s5;
	_ =	sdelay $0x1  }
0xa2: {  	s23 =	simm.s32 $0x1B8B  }
0xa3: {  	_ =	swait.ge [sflag:s23], $0x1  }
0xa4: {  	[sflag:s23] =	ssyncset.done $0x0  }
0xa5: {  	s25 =	simm.s32 $0x1B8E;
	s24 =	sld [smem:$0x3FFE];
	[sflag:s23] =	ssyncadd.s32 $0xFFFFFFFF  }
0xa6: {  	s26 =	simm.s32 $execute0_lowered;
	[smem:$0x3FD2] =	sst s25  }
0xa7: {  	s6 =	sshll.u32 s26, $0x1;
	_ =	strace $0x80000046;
	[dreg:$0x1] =	wrdreg $0xFFFFFFFF  }
0xa8: {  	s28 =	simm.s32 $_size_execute0_lowered;
	s4 =	sadd.s32 s4, s6;
	[dreg:$0x0] =	wrdreg $0x0  }
0xa9: {  	s6 =	sshll.u32 s28, $0x1;
	[dreg:$0x2] =	wrdreg s4  }
0xaa: {  	[dreg:$0x3] =	wrdreg s6  }
0xab: {  	[dreg:$0x4] =	wrdreg $0xC0  }
0xac: {  	_ =	task [dreg:s8], $0x5FFFF  }
0xad: {  	[dreg:$0x1] =	wrdreg $0xFFFFFFFF  }
0xae: {  	[dreg:$0x0] =	wrdreg $0x60  }
0xaf: {  	[dreg:$0x2] =	wrdreg s2  }
0xb0: {  	[dreg:$0x3] =	wrdreg s24  }
0xb1: {  	[dreg:$0x4] =	wrdreg s18  }
0xb2: {  	[dreg:$0x5] =	wrdreg $0x9  }
0xb3: {  	_ =	task.clear_ibuf [dreg:s8], $0x6FFFF;
	_ =	strace $0x90000046  }
0xb4: {  	s29 =	simm.s32 $0x9;
	_ =	strace $0x80000048  }
0xb5: {  	_ =	swait.ge [sflag:s29], $0x1  }
0xb6: {  	[sflag:s29] =	ssyncadd.s32 $0xFFFFFFFF  }
0xb7: {  	_ =	strace $0x90000048  }
0xb8: {  	_ =	sfence  }
0xb9: {  	s30 =	sld [smem:$0x0];
	_ =	sdelay $0x2  }
0xba: {  	s31 =	sshll.u32 s1, $0xD;
	s1 =	sshrl.u32 s1, $0x2  }
0xbb: {  	s3 =	sand.u32 $0x4000, s31;
	s1 =	sadd.s32 s1, s30  }
0xbc: {  	s0 =	sor.u32 s3, s0;
	s1 =	sshll.u32 s1, $0x11  }
0xbd: {  	s0 =	sor.u32 s1, s0  }
0xbe: {  	s0 =	sadd.s32 $0x8F2B, s0  }
0xbf: {  	[sflag:s0] =	ssyncadd.remote.s32 $0x1  }
0xc0: {  	_ =	sfence.sel $0xFFFF  }
0xc1: {  	[dreg:$0x0] =	wrdreg $0xFFFFFFFF;
	(pc) =	sbr.abs _section_cstart, $3  }
0xc2: {  	[dreg:$0x1] =	wrdreg $0xFFFFFFFF  }
0xc3: {  	_ =	task.clear_ibuf [dreg:s8], $0x2FFFF;
	_ =	strace $0x9FFFFFFF  }
0xc4: {  	(tm) =	ssettm $0x7FFFFFFF  }
0xc5: {  	_ =	shalt  }
tec
execute0_lowered:
.L_overlay_start_1:
0x0: {  	(tag) =	ssettag $0x1  }
0x1: {  	s0 =	rddreg [dreg:$0x0]  }
0x2: {  	s1 =	rddreg [dreg:$0x1]  }
0x3: {  	s2 =	rddreg [dreg:$0x2]  }
0x4: {  	s3 =	simm.s32 $0x0;
	s4 =	srdreg.scid;
	s5 =	stileid.u32  }
0x5: {  	s13 =	simm.s32 $0x80;
	s15 =	simm.s32 $0xCB00;
	s18 =	simm.s32 $0xC900  }
0x6: {  	s19 =	simm.s32 $0x10B00;
	s20 =	simm.s32 $0xC980;
	s21 =	simm.s32 $0x12B00  }
0x7: {  	s23 =	simm.s32 $0x14B00;
	s28 =	simm.s32 $0x4;
	s29 =	simm.s32 $0x2  }
0x8: {  	s30 =	simm.s32 $0x5;
	s4 =	sand.u32 $0x1, s4;
	s5 =	sshll.u32 s5, $0x1  }
0x9: {  	s31 =	simm.s32 $0x3;
	[smem:$0x7FF] =	sst s3;
	s7 =	sor.u32 s4, s5  }
0xa: {  	_ =	strace $0x80000047;
	s6 =	ssub.s32 $0x2, s4;
	s8 =	smul.u32 $0x320000, s7  }
.Ltmp0:
0xb: {  	s4 =	sadd.s32 $0x800, s1;
	s25 =	sshll.u32 s7, $0x5;
	(pc) =	sbr.rel .LBB2_1-.Ltmp0, $4  }
0xc: {  	s24 =	sshrl.u32 s6, $0x1;
	s5 =	smul.u32 $0xC800, s7;
	s0 =	sadd.s32 s0, s25  }
0xd: {  	v0 =	vlaneseq.u32;
	s1 =	ssub.s32 s6, s24;
	s6 =	simm.s32 $0x0;
	[dreg:$0x4] =	wrdreg s0  }
0xe: {  	v3 =	vand.u32 $0x1, v0;
	s7 =	sor.u32 $0x4000, s8;
	s8 =	sor.u32 $0x8000, s8;
	s26 =	smax.u32 s1, $0x1  }
0xf: {  	v1 =	vmul.u32 $0x80, v0;
	v2 =	vmul.u32 $0x80, v3;
	v3 =	vmul.u32 $0xFA1, v3;
	s0 =	simm.s32 $0x6;
	[dreg:$0x5] =	wrdreg s26;
	s26 =	simm.s32 $0x1  }
.LBB2_24:
0x10: {  	_ =	swait.ge [sflag:s30], $0x4000  }
0x11: {  	[sflag:s30] =	ssyncset.done $0x0  }
0x12: {  	[sflag:s30] =	ssyncadd.s32 $0xFFFFC000  }
.LBB2_22:
0x13: {  	s6 =	rddreg [dreg:$0x6]  }
0x14: {  	s1 =	rddreg [dreg:$0x5];
	s6 =	sadd.s32 $0x1, s6  }
0x15: {  	p0 =	sne.s32 s6, s1  }
.Ltmp1:
0x16: {  	_ = 	snop;
	(pc) =	sbr.rel @!p0 .LBB2_23-.Ltmp1, $1  }
0x17: {  	_ =	sdelay $0x3  }
.LBB2_1:
0x18: {  	v4 =	vmov s3  }
0x19: {  	v4 =	vshll.u32 v4, $0x7  }
0x1a: {  	[dreg:$0x6] =	wrdreg s6;
	v4 =	vor.u32 v1, v4  }
0x1b: {  	s1 =	rddreg [dreg:$0x4];
	v4 =	vand.u32 $0x7F00, v4  }
0x1c: {  	s16 =	simm.s32 $0x100;
	s9 =	simm.s32 $0x2000;
	s17 =	simm.s32 $0x7;
	v4 =	vor.u32 v2, v4  }
0x1d: {  	[tilespmem:s3], [sflag:$0x7] =	stream.strided.gather [hbm4b:s1+s16], $0xC800, s9, s16, $0x38;
	[tilespmem:$0x18B00] =	vst v63  }
0x1e: {  	_ =	swait.ge [sflag:s17], $0xC800  }
0x1f: {  	[sflag:s17] =	ssyncset.done $0x0  }
0x20: {  	[sflag:s17] =	ssyncadd.s32 $0xFFFF3800  }
0x21: {  	s22 =	simm.s32 $0x10;
	v4 =	vld.idx.msk [tilespmem:v4+s3+$0x0], $0xffff  }
0x22: {  	v5 =	vmov s22  }
0x23: {  	v5 =	vshll.u32 v5, $0x7  }
0x24: {  	v5 =	vor.u32 v1, v5  }
0x25: {  	v5 =	vand.u32 $0x7F00, v5  }
0x26: {  	v6 =	vadd.s32 v3, v4;
	v4 =	vor.u32 v2, v5;
	_ =	sdelay $0x2  }
0x27: {  	s24 =	simm.s32 $0x20;
	s25 =	simm.s32 $0xC800  }
0x28: {  	s6 =	simm.s32 $0xC800;
	s9 =	simm.s32 $0x30;
	v5 =	vmov s24;
	[tilespmem:s25+$0x0] =	vst v6  }
.LBB2_2:
0x29: {  	p0 =	sne.s32 s9, $0xF0;
	v5 =	vshll.u32 v5, $0x7;
	v6 =	vld.idx.msk [tilespmem:v4+s3+$0x0], $0xffff  }
0x2a: {  	v4 =	vor.u32 v1, v5  }
0x2b: {  	v4 =	vand.u32 $0x7F00, v4  }
.Ltmp2:
0x2c: {  	v4 =	vor.u32 v2, v4;
	(pc) =	sbr.rel @p0 .LBB2_2-.Ltmp2, $3  }
0x2d: {  	_ =	sdelay $0x1  }
0x2e: {  	s6 =	sadd.s32 $0x10, s6;
	v6 =	vadd.s32 v3, v6  }
0x2f: {  	v5 =	vmov s9;
	s9 =	sadd.s32 $0x10, s9;
	[tilespmem:s6+$0x0] =	vst v6  }
0x30: {  	_ =	sdelay $0x2  }
0x31: {  	v5 =	vshll.u32 v5, $0x7  }
0x32: {  	v4 =	vld.idx.msk [tilespmem:v4+s3+$0x0], $0xffff;
	s9 =	simm.s32 $0x100;
	v5 =	vor.u32 v1, v5  }
0x33: {  	v6 =	vmov s9;
	v5 =	vand.u32 $0x7F00, v5  }
0x34: {  	v6 =	vmulhi.u32 $0x51EB851F, v6;
	v5 =	vor.u32 v2, v5;
	_ =	sdelay $0x1  }
0x35: {  	v6 =	vshrl.u32 v6, $0x7  }
0x36: {  	s6 =	sadd.s32 $0x10, s6;
	v4 =	vadd.s32 v3, v4;
	v7 =	vmul.u32 $0x1FFFE70, v6  }
0x37: {  	[tilespmem:s6+$0x0] =	vst v4  }
0x38: {  	s10 =	simm.s32 $0x110;
	v4 =	vld.idx.msk [tilespmem:v5+s3+$0x0], $0xffff;
	v5 =	vadd.s32 s9, v7  }
0x39: {  	v7 =	vmov s10;
	v5 =	vadd.s32 v0, v5  }
0x3a: {  	v7 =	vmulhi.u32 $0x51EB851F, v7;
	v5 =	vshll.u32 v5, $0x7  }
0x3b: {  	v5 =	vand.u32 $0xFFFFFF00, v5  }
0x3c: {  	v5 =	vor.u32 v5, v6;
	v6 =	vshrl.u32 v7, $0x7  }
0x3d: {  	s6 =	sadd.s32 $0x10, s6;
	v4 =	vadd.s32 v3, v4;
	v5 =	vor.u32 v2, v5;
	v7 =	vmul.u32 $0x1FFFE70, v6  }
0x3e: {  	s1 =	simm.s32 $0xC800;
	[tilespmem:s6+$0x0] =	vst v4  }
0x3f: {  	[tilespmem:s15], [sflag:$0x1] =	stream.indirect.gather [hbm4b:s4+s13], $0x40, s1, s13, $0xb8;
	v4 =	vadd.s32 s10, v7;
	[tilespmem:$0x18B00] =	vst v63  }
0x40: {  	s22 =	simm.s32 $0x120;
	s24 =	simm.s32 $0xC880;
	s25 =	simm.s32 $0xEB00;
	v4 =	vadd.s32 v0, v4  }
0x41: {  	v7 =	vmov s22;
	[tilespmem:s25], [sflag:$0x1] =	stream.indirect.gather [hbm4b:s4+s13], $0x40, s24, s13, $0xb8;
	v4 =	vshll.u32 v4, $0x7;
	[tilespmem:$0x18B00] =	vst v63  }
0x42: {  	v7 =	vmulhi.u32 $0x51EB851F, v7;
	v5 =	vld.idx.msk [tilespmem:v5+s3+$0x0], $0xffff;
	v4 =	vand.u32 $0xFFFFFF00, v4  }
0x43: {  	v6 =	vor.u32 v4, v6  }
0x44: {  	v4 =	vshrl.u32 v7, $0x7;
	v8 =	vor.u32 v2, v6  }
0x45: {  	v6 =	vmul.u32 $0x1FFFE70, v4;
	_ =	sdelay $0x1  }
0x46: {  	s6 =	simm.s32 $0xC900;
	v6 =	vadd.s32 s22, v6;
	v5 =	vadd.s32 v3, v5  }
0x47: {  	s9 =	simm.s32 $0x130;
	v7 =	vadd.s32 v0, v6;
	[tilespmem:s6+$0x0] =	vst v5  }
0x48: {  	s10 =	simm.s32 $0x140;
	v6 =	vmov s9;
	v7 =	vshll.u32 v7, $0x7;
	v5 =	vld.idx.msk [tilespmem:v8+s3+$0x0], $0xffff  }
.LBB2_4:
0x49: {  	p0 =	sne.s32 s10, $0x1F0;
	v6 =	vmulhi.u32 $0x51EB851F, v6;
	v7 =	vand.u32 $0xFFFFFF00, v7  }
0x4a: {  	v7 =	vor.u32 v7, v4  }
0x4b: {  	v4 =	vshrl.u32 v6, $0x7;
	v8 =	vor.u32 v2, v7  }
.Ltmp3:
0x4c: {  	v6 =	vmul.u32 $0x1FFFE70, v4;
	(pc) =	sbr.rel @p0 .LBB2_4-.Ltmp3, $4  }
0x4d: {  	_ = 	snop  }
0x4e: {  	s6 =	sadd.s32 $0x10, s6;
	v5 =	vadd.s32 v3, v5;
	v6 =	vadd.s32 s9, v6;
	s9 =	smov.u32 s10  }
0x4f: {  	v7 =	vadd.s32 v0, v6;
	[tilespmem:s6+$0x0] =	vst v5  }
0x50: {  	s10 =	sadd.s32 $0x10, s10;
	v6 =	vmov s9;
	v7 =	vshll.u32 v7, $0x7;
	v5 =	vld.idx.msk [tilespmem:v8+s3+$0x0], $0xffff  }
0x51: {  	v6 =	vmulhi.u32 $0x51EB851F, v6  }
0x52: {  	v7 =	vand.u32 $0xFFFFFF00, v7  }
0x53: {  	v4 =	vor.u32 v7, v4;
	v6 =	vshrl.u32 v6, $0x7  }
0x54: {  	v4 =	vor.u32 v2, v4;
	v7 =	vmul.u32 $0x1FFFE70, v6;
	_ =	sdelay $0x1  }
0x55: {  	v7 =	vadd.s32 s9, v7  }
0x56: {  	s6 =	sadd.s32 $0x10, s6;
	v5 =	vadd.s32 v3, v5;
	v7 =	vadd.s32 v0, v7  }
0x57: {  	[tilespmem:s6+$0x0] =	vst v5;
	v5 =	vshll.u32 v7, $0x7  }
0x58: {  	s24 =	simm.s32 $0x200;
	v4 =	vld.idx.msk [tilespmem:v4+s3+$0x0], $0xffff;
	v5 =	vand.u32 $0xFFFFFF00, v5  }
0x59: {  	v5 =	vor.u32 v5, v6;
	v6 =	vmov s24  }
0x5a: {  	v5 =	vor.u32 v2, v5;
	v6 =	vmulhi.u32 $0x51EB851F, v6;
	_ =	sdelay $0x1  }
0x5b: {  	v6 =	vshrl.u32 v6, $0x7  }
0x5c: {  	s6 =	sadd.s32 $0x10, s6;
	v4 =	vadd.s32 v3, v4;
	v7 =	vmul.u32 $0x1FFFE70, v6  }
0x5d: {  	[tilespmem:s6+$0x0] =	vst v4  }
0x5e: {  	s10 =	simm.s32 $0x210;
	v4 =	vld.idx.msk [tilespmem:v5+s3+$0x0], $0xffff;
	v5 =	vadd.s32 s24, v7  }
0x5f: {  	v7 =	vmov s10;
	v5 =	vadd.s32 v0, v5  }
0x60: {  	v7 =	vmulhi.u32 $0x51EB851F, v7;
	v5 =	vshll.u32 v5, $0x7  }
0x61: {  	v5 =	vand.u32 $0xFFFFFF00, v5  }
0x62: {  	v5 =	vor.u32 v5, v6;
	v6 =	vshrl.u32 v7, $0x7  }
0x63: {  	s6 =	sadd.s32 $0x10, s6;
	v4 =	vadd.s32 v3, v4;
	v5 =	vor.u32 v2, v5;
	v7 =	vmul.u32 $0x1FFFE70, v6  }
0x64: {  	[tilespmem:s6+$0x0] =	vst v4  }
0x65: {  	[tilespmem:s19], [sflag:$0x2] =	stream.indirect.gather [hbm4b:s4+s13], $0x40, s18, s13, $0xb8;
	v4 =	vadd.s32 s10, v7;
	[tilespmem:$0x18B00] =	vst v63  }
0x66: {  	s25 =	simm.s32 $0x220;
	v4 =	vadd.s32 v0, v4  }
0x67: {  	v7 =	vmov s25;
	[tilespmem:s21], [sflag:$0x2] =	stream.indirect.gather [hbm4b:s4+s13], $0x40, s20, s13, $0xb8;
	v4 =	vshll.u32 v4, $0x7;
	[tilespmem:$0x18B00] =	vst v63  }
0x68: {  	v7 =	vmulhi.u32 $0x51EB851F, v7;
	v5 =	vld.idx.msk [tilespmem:v5+s3+$0x0], $0xffff;
	v4 =	vand.u32 $0xFFFFFF00, v4  }
0x69: {  	v6 =	vor.u32 v4, v6  }
0x6a: {  	v4 =	vshrl.u32 v7, $0x7;
	v8 =	vor.u32 v2, v6  }
0x6b: {  	v6 =	vmul.u32 $0x1FFFE70, v4;
	_ =	sdelay $0x1  }
0x6c: {  	s6 =	simm.s32 $0xCA00;
	v6 =	vadd.s32 s25, v6;
	v5 =	vadd.s32 v3, v5  }
0x6d: {  	s9 =	simm.s32 $0x230;
	v7 =	vadd.s32 v0, v6;
	[tilespmem:s6+$0x0] =	vst v5  }
0x6e: {  	s10 =	simm.s32 $0x240;
	v6 =	vmov s9;
	v7 =	vshll.u32 v7, $0x7;
	v5 =	vld.idx.msk [tilespmem:v8+s3+$0x0], $0xffff  }
.LBB2_6:
0x6f: {  	p0 =	sne.s32 s10, $0x2F0;
	v6 =	vmulhi.u32 $0x51EB851F, v6;
	v7 =	vand.u32 $0xFFFFFF00, v7  }
0x70: {  	v7 =	vor.u32 v7, v4  }
0x71: {  	v4 =	vshrl.u32 v6, $0x7;
	v8 =	vor.u32 v2, v7  }
.Ltmp4:
0x72: {  	v6 =	vmul.u32 $0x1FFFE70, v4;
	(pc) =	sbr.rel @p0 .LBB2_6-.Ltmp4, $4  }
0x73: {  	_ = 	snop  }
0x74: {  	s6 =	sadd.s32 $0x10, s6;
	v5 =	vadd.s32 v3, v5;
	v6 =	vadd.s32 s9, v6;
	s9 =	smov.u32 s10  }
0x75: {  	v7 =	vadd.s32 v0, v6;
	[tilespmem:s6+$0x0] =	vst v5  }
0x76: {  	s10 =	sadd.s32 $0x10, s10;
	v6 =	vmov s9;
	v7 =	vshll.u32 v7, $0x7;
	v5 =	vld.idx.msk [tilespmem:v8+s3+$0x0], $0xffff  }
0x77: {  	v6 =	vmulhi.u32 $0x51EB851F, v6  }
0x78: {  	v7 =	vand.u32 $0xFFFFFF00, v7  }
0x79: {  	v4 =	vor.u32 v7, v4;
	v6 =	vshrl.u32 v6, $0x7  }
0x7a: {  	v4 =	vor.u32 v2, v4;
	v63 =	vmul.u32 $0x1FFFE70, v6;
	_ =	sdelay $0x1  }
0x7b: {  	v7 =	vadd.s32 s9, v63  }
0x7c: {  	s6 =	sadd.s32 $0x10, s6;
	v5 =	vadd.s32 v3, v5;
	v7 =	vadd.s32 v0, v7  }
0x7d: {  	[tilespmem:s6+$0x0] =	vst v5;
	v5 =	vshll.u32 v7, $0x7  }
0x7e: {  	v4 =	vld.idx.msk [tilespmem:v4+s3+$0x0], $0xffff;
	v5 =	vand.u32 $0xFFFFFF00, v5  }
0x7f: {  	v5 =	vor.u32 v5, v6  }
0x80: {  	v5 =	vor.u32 v2, v5;
	_ =	sdelay $0x2  }
0x81: {  	s6 =	sadd.s32 $0x10, s6;
	v4 =	vadd.s32 v3, v4  }
0x82: {  	[tilespmem:s6+$0x0] =	vst v4  }
0x83: {  	v4 =	vld.idx.msk [tilespmem:v5+s3+$0x0], $0xffff;
	_ =	sdelay $0x3  }
0x84: {  	s1 =	simm.s32 $0xCA00  }
.Ltmp5:
0x85: {  	s24 =	simm.s32 $0xCA80;
	s6 =	sadd.s32 $0x10, s6;
	v4 =	vadd.s32 v3, v4;
	(pc) =	sbr.rel .LBB2_8-.Ltmp5, $4  }
0x86: {  	s25 =	simm.s32 $0x16B00;
	s10 =	simm.s32 $0x0;
	s11 =	simm.s32 $0x300;
	[tilespmem:s6+$0x0] =	vst v4  }
0x87: {  	[tilespmem:s23], [sflag:$0x3] =	stream.indirect.gather [hbm4b:s4+s13], $0x40, s1, s13, $0xb8;
	[tilespmem:$0x18B00] =	vst v63  }
0x88: {  	s12 =	simm.s32 $0x0;
	s9 =	simm.s32 $0x500;
	s6 =	simm.s32 $0x400  }
0x89: {  	[tilespmem:s25], [sflag:$0x3] =	stream.indirect.gather [hbm4b:s4+s13], $0x40, s24, s13, $0xb8;
	[tilespmem:$0x18B00] =	vst v63  }
.LBB2_20:
0x8a: {  	_ =	swait.ge [sflag:s0], $0x4000  }
0x8b: {  	[sflag:s0] =	ssyncset.done $0x0  }
0x8c: {  	[sflag:s0] =	ssyncadd.s32 $0xFFFFC000  }
.LBB2_21:
0x8d: {  	s12 =	sadd.s32 $0x1, s12  }
0x8e: {  	p0 =	sne.s32 s12, $0x43  }
.Ltmp6:
0x8f: {  	_ = 	snop;
	(pc) =	sbr.rel @!p0 .LBB2_22-.Ltmp6, $2  }
0x90: {  	_ =	sdelay $0x2  }
0x91: {  	s11 =	sadd.s32 $0x300, s11;
	s6 =	sadd.s32 $0x300, s6;
	s9 =	sadd.s32 $0x300, s9  }
.LBB2_8:
0x92: {  	_ =	swait.ge [sflag:s26], $0x2000  }
0x93: {  	s14 =	smul.u32 $0x300, s12;
	p0 =	seq.s32 s12, $0x42;
	[sflag:s26] =	ssyncset.done $0x0  }
.Ltmp7:
0x94: {  	[sflag:s26] =	ssyncadd.s32 $0xFFFFE000;
	(pc) =	sbr.rel @!p0 .LBB2_9-.Ltmp7, $4  }
0x95: {  	s14 =	sadd.s32 s5, s14;
	_ =	swait.ge [sflag:s26], $0x2000  }
0x96: {  	s14 =	sshll.u32 s14, $0x3;
	[sflag:s26] =	ssyncset.done $0x0  }
0x97: {  	s14 =	sadd.s32 s2, s14;
	[sflag:s26] =	ssyncadd.s32 $0xFFFFE000  }
0x98: {  	[hbm4b:s14+s10] =	stream.linear.scatter [tilespmem:s15], [sflag:$0x4], $0x4000, $0x38;
	[tilespmem:$0x18B00] =	vst v63  }
.Ltmp8:
0x99: {  	(pc) =	sbr.rel .LBB2_13-.Ltmp8, $4  }
0x9a: {  	_ = 	snop  }
0x9b: {  	_ =	swait.ge [sflag:s28], $0x4000  }
0x9c: {  	[sflag:s28] =	ssyncset.done $0x0  }
0x9d: {  	[sflag:s28] =	ssyncadd.s32 $0xFFFFC000  }
.LBB2_9:
0x9e: {  	v4 =	vmov s11  }
0x9f: {  	v4 =	vmulhi.u32 $0x51EB851F, v4;
	_ =	sdelay $0x1  }
0xa0: {  	v4 =	vshrl.u32 v4, $0x7  }
0xa1: {  	v5 =	vmul.u32 $0x1FFFE70, v4;
	_ =	sdelay $0x1  }
0xa2: {  	v5 =	vadd.s32 s11, v5  }
0xa3: {  	s14 =	sadd.s32 $0x10, s11;
	v5 =	vadd.s32 v0, v5  }
0xa4: {  	v6 =	vmov s14;
	v5 =	vshll.u32 v5, $0x7  }
0xa5: {  	v6 =	vmulhi.u32 $0x51EB851F, v6;
	v4 =	vand.u32 $0x7FFFFF, v4;
	v5 =	vand.u32 $0xFFFFFF00, v5  }
0xa6: {  	v5 =	vadd.s32 v5, v4  }
0xa7: {  	v4 =	vshrl.u32 v6, $0x7;
	v5 =	vadd.s32 v2, v5  }
0xa8: {  	v6 =	vmul.u32 $0x1FFFE70, v4;
	_ =	sdelay $0x1  }
0xa9: {  	s16 =	sadd.s32 $0x10, s14;
	v6 =	vadd.s32 s14, v6  }
0xaa: {  	s24 =	simm.s32 $0x40;
	v7 =	vmov s16;
	v8 =	vadd.s32 v0, v6  }
0xab: {  	s22 =	simm.s32 $0x80;
	s25 =	simm.s32 $0xC0;
	s17 =	simm.s32 $0x0;
	v6 =	vmulhi.u32 $0x51EB851F, v7;
	v7 =	vshll.u32 v8, $0x7;
	v5 =	vld.idx.msk [tilespmem:v5+s3+$0x0], $0xffff  }
.LBB2_10:
0xac: {  	p1 =	sne.s32 s25, $0x3C0;
	v7 =	vand.u32 $0xFFFFFF00, v7;
	v4 =	vand.u32 $0x7FFFFF, v4  }
0xad: {  	v7 =	vadd.s32 v7, v4  }
0xae: {  	v4 =	vshrl.u32 v6, $0x7;
	v8 =	vadd.s32 v2, v7  }
.Ltmp9:
0xaf: {  	v6 =	vmul.u32 $0x1FFFE70, v4;
	(pc) =	sbr.rel @p1 .LBB2_10-.Ltmp9, $4  }
0xb0: {  	_ = 	snop  }
0xb1: {  	s14 =	sshra.s32 s17, $0x2;
	s17 =	smov.u32 s24;
	v6 =	vadd.s32 s16, v6;
	s16 =	sadd.s32 $0x10, s16;
	v5 =	vadd.s32 v3, v5  }
0xb2: {  	s24 =	smov.u32 s22;
	s22 =	smov.u32 s25;
	v7 =	vmov s16;
	v9 =	vadd.s32 v0, v6;
	[tilespmem:s14+$0xC800] =	vst v5  }
0xb3: {  	s25 =	sadd.s32 $0x40, s25;
	v6 =	vmulhi.u32 $0x51EB851F, v7;
	v7 =	vshll.u32 v9, $0x7;
	v5 =	vld.idx.msk [tilespmem:v8+s3+$0x0], $0xffff  }
0xb4: {  	v7 =	vand.u32 $0xFFFFFF00, v7;
	v4 =	vand.u32 $0x7FFFFF, v4  }
0xb5: {  	v4 =	vadd.s32 v7, v4;
	v6 =	vshrl.u32 v6, $0x7  }
0xb6: {  	v4 =	vadd.s32 v2, v4;
	v63 =	vmul.u32 $0x1FFFE70, v6;
	_ =	sdelay $0x1  }
0xb7: {  	v7 =	vadd.s32 s16, v63  }
0xb8: {  	s14 =	sshra.s32 s17, $0x2;
	v5 =	vadd.s32 v3, v5;
	v7 =	vadd.s32 v0, v7  }
0xb9: {  	[tilespmem:s14+$0xC800] =	vst v5;
	v5 =	vshll.u32 v7, $0x7  }
0xba: {  	v6 =	vand.u32 $0x7FFFFF, v6;
	v4 =	vld.idx.msk [tilespmem:v4+s3+$0x0], $0xffff;
	v5 =	vand.u32 $0xFFFFFF00, v5  }
0xbb: {  	v5 =	vadd.s32 v5, v6  }
0xbc: {  	v5 =	vadd.s32 v2, v5;
	_ =	sdelay $0x2  }
0xbd: {  	s17 =	sshra.s32 s24, $0x2;
	v4 =	vadd.s32 v3, v4  }
0xbe: {  	[tilespmem:s17+$0xC800] =	vst v4  }
0xbf: {  	v4 =	vld.idx.msk [tilespmem:v5+s3+$0x0], $0xffff;
	_ =	sdelay $0x4  }
0xc0: {  	s22 =	sshra.s32 s22, $0x2;
	v4 =	vadd.s32 v3, v4  }
0xc1: {  	[tilespmem:s22+$0xC800] =	vst v4  }
0xc2: {  	_ =	swait.ge [sflag:s28], $0x4000  }
0xc3: {  	[sflag:s28] =	ssyncset.done $0x0  }
0xc4: {  	s1 =	simm.s32 $0xC800;
	[sflag:s28] =	ssyncadd.s32 $0xFFFFC000  }
0xc5: {  	[tilespmem:s15], [sflag:$0x1] =	stream.indirect.gather [hbm4b:s4+s13], $0x40, s1, s13, $0xb8;
	[tilespmem:$0x18B00] =	vst v63  }
0xc6: {  	s24 =	simm.s32 $0xC880;
	s25 =	simm.s32 $0xEB00  }
0xc7: {  	[tilespmem:s25], [sflag:$0x1] =	stream.indirect.gather [hbm4b:s4+s13], $0x40, s24, s13, $0xb8;
	[tilespmem:$0x18B00] =	vst v63  }
.LBB2_13:
0xc8: {  	_ =	swait.ge [sflag:s29], $0x2000  }
0xc9: {  	s22 =	smul.u32 $0xC000, s12;
	[sflag:s29] =	ssyncset.done $0x0  }
.Ltmp10:
0xca: {  	[sflag:s29] =	ssyncadd.s32 $0xFFFFE000;
	(pc) =	sbr.rel @p0 .LBB2_24-.Ltmp10, $4  }
0xcb: {  	s14 =	sadd.s32 s7, s22;
	_ =	swait.ge [sflag:s29], $0x2000  }
0xcc: {  	s14 =	sshrl.u32 s14, $0x3;
	[sflag:s29] =	ssyncset.done $0x0  }
0xcd: {  	s24 =	simm.s32 $0x0;
	s14 =	sadd.s32 s2, s14;
	[sflag:s29] =	ssyncadd.s32 $0xFFFFE000  }
0xce: {  	[hbm4b:s14+s24] =	stream.linear.scatter [tilespmem:s19], [sflag:$0x5], $0x4000, $0x38;
	[tilespmem:$0x18B00] =	vst v63  }
0xcf: {  	v4 =	vmov s6  }
0xd0: {  	v4 =	vmulhi.u32 $0x51EB851F, v4;
	_ =	sdelay $0x1  }
0xd1: {  	v4 =	vshrl.u32 v4, $0x7  }
0xd2: {  	v5 =	vmul.u32 $0x1FFFE70, v4;
	_ =	sdelay $0x1  }
0xd3: {  	v5 =	vadd.s32 s6, v5  }
0xd4: {  	s14 =	sadd.s32 $0x10, s6;
	v5 =	vadd.s32 v0, v5  }
0xd5: {  	v6 =	vmov s14;
	v5 =	vshll.u32 v5, $0x7  }
0xd6: {  	v6 =	vmulhi.u32 $0x51EB851F, v6;
	v4 =	vand.u32 $0x7FFFFF, v4;
	v5 =	vand.u32 $0xFFFFFF00, v5  }
0xd7: {  	v5 =	vadd.s32 v5, v4  }
0xd8: {  	v4 =	vshrl.u32 v6, $0x7;
	v5 =	vadd.s32 v2, v5  }
0xd9: {  	v6 =	vmul.u32 $0x1FFFE70, v4;
	_ =	sdelay $0x1  }
0xda: {  	s17 =	sadd.s32 $0x10, s14;
	v6 =	vadd.s32 s14, v6  }
0xdb: {  	v7 =	vmov s17;
	v8 =	vadd.s32 v0, v6  }
0xdc: {  	s16 =	simm.s32 $0x40;
	s25 =	simm.s32 $0x80;
	s14 =	simm.s32 $0xC0;
	v6 =	vmulhi.u32 $0x51EB851F, v7;
	v7 =	vshll.u32 v8, $0x7;
	v5 =	vld.idx.msk [tilespmem:v5+s3+$0x0], $0xffff  }
.LBB2_15:
0xdd: {  	p0 =	seq.s32 s14, $0x3C0;
	v7 =	vand.u32 $0xFFFFFF00, v7;
	v4 =	vand.u32 $0x7FFFFF, v4  }
0xde: {  	v7 =	vadd.s32 v7, v4  }
0xdf: {  	v4 =	vshrl.u32 v6, $0x7;
	v8 =	vadd.s32 v2, v7  }
.Ltmp11:
0xe0: {  	v6 =	vmul.u32 $0x1FFFE70, v4;
	(pc) =	sbr.rel @!p0 .LBB2_15-.Ltmp11, $4  }
0xe1: {  	_ = 	snop  }
0xe2: {  	s1 =	sshra.s32 s24, $0x2;
	s24 =	smov.u32 s16;
	v6 =	vadd.s32 s17, v6;
	s17 =	sadd.s32 $0x10, s17;
	v5 =	vadd.s32 v3, v5  }
0xe3: {  	s16 =	smov.u32 s25;
	s25 =	smov.u32 s14;
	v7 =	vmov s17;
	v9 =	vadd.s32 v0, v6;
	[tilespmem:s1+$0xC900] =	vst v5  }
0xe4: {  	s14 =	sadd.s32 $0x40, s14;
	v6 =	vmulhi.u32 $0x51EB851F, v7;
	v7 =	vshll.u32 v9, $0x7;
	v5 =	vld.idx.msk [tilespmem:v8+s3+$0x0], $0xffff  }
0xe5: {  	v7 =	vand.u32 $0xFFFFFF00, v7;
	v4 =	vand.u32 $0x7FFFFF, v4  }
0xe6: {  	v4 =	vadd.s32 v7, v4;
	v6 =	vshrl.u32 v6, $0x7  }
0xe7: {  	v4 =	vadd.s32 v2, v4;
	v63 =	vmul.u32 $0x1FFFE70, v6;
	_ =	sdelay $0x1  }
0xe8: {  	v7 =	vadd.s32 s17, v63  }
0xe9: {  	s1 =	sshra.s32 s24, $0x2;
	v5 =	vadd.s32 v3, v5;
	v7 =	vadd.s32 v0, v7  }
0xea: {  	[tilespmem:s1+$0xC900] =	vst v5;
	v5 =	vshll.u32 v7, $0x7  }
0xeb: {  	v6 =	vand.u32 $0x7FFFFF, v6;
	v4 =	vld.idx.msk [tilespmem:v4+s3+$0x0], $0xffff;
	v5 =	vand.u32 $0xFFFFFF00, v5  }
0xec: {  	v5 =	vadd.s32 v5, v6  }
0xed: {  	v5 =	vadd.s32 v2, v5;
	_ =	sdelay $0x2  }
0xee: {  	s17 =	sshra.s32 s16, $0x2;
	v4 =	vadd.s32 v3, v4  }
0xef: {  	[tilespmem:s17+$0xC900] =	vst v4  }
0xf0: {  	v4 =	vld.idx.msk [tilespmem:v5+s3+$0x0], $0xffff;
	_ =	sdelay $0x4  }
0xf1: {  	s24 =	sshra.s32 s25, $0x2;
	v4 =	vadd.s32 v3, v4  }
0xf2: {  	[tilespmem:s24+$0xC900] =	vst v4  }
0xf3: {  	_ =	swait.ge [sflag:s30], $0x4000  }
0xf4: {  	[sflag:s30] =	ssyncset.done $0x0  }
0xf5: {  	[sflag:s30] =	ssyncadd.s32 $0xFFFFC000  }
0xf6: {  	[tilespmem:s19], [sflag:$0x2] =	stream.indirect.gather [hbm4b:s4+s13], $0x40, s18, s13, $0xb8;
	[tilespmem:$0x18B00] =	vst v63  }
0xf7: {  	_ = 	snop  }
0xf8: {  	[tilespmem:s21], [sflag:$0x2] =	stream.indirect.gather [hbm4b:s4+s13], $0x40, s20, s13, $0xb8;
	[tilespmem:$0x18B00] =	vst v63  }
0xf9: {  	_ =	swait.ge [sflag:s31], $0x2000  }
0xfa: {  	p0 =	sgt.u32 s12, $0x40;
	[sflag:s31] =	ssyncset.done $0x0  }
.Ltmp12:
0xfb: {  	[sflag:s31] =	ssyncadd.s32 $0xFFFFE000;
	(pc) =	sbr.rel @p0 .LBB2_20-.Ltmp12, $4  }
0xfc: {  	s25 =	sadd.s32 s8, s22;
	_ =	swait.ge [sflag:s31], $0x2000  }
0xfd: {  	s1 =	sshrl.u32 s25, $0x3;
	[sflag:s31] =	ssyncset.done $0x0  }
0xfe: {  	s22 =	simm.s32 $0x0;
	s1 =	sadd.s32 s2, s1;
	[sflag:s31] =	ssyncadd.s32 $0xFFFFE000  }
0xff: {  	[hbm4b:s1+s22] =	stream.linear.scatter [tilespmem:s23], [sflag:$0x6], $0x4000, $0x38;
	[tilespmem:$0x18B00] =	vst v63  }
0x100: {  	v4 =	vmov s9  }
0x101: {  	v4 =	vmulhi.u32 $0x51EB851F, v4;
	_ =	sdelay $0x1  }
0x102: {  	v4 =	vshrl.u32 v4, $0x7  }
0x103: {  	v5 =	vmul.u32 $0x1FFFE70, v4;
	_ =	sdelay $0x1  }
0x104: {  	v5 =	vadd.s32 s9, v5  }
0x105: {  	s1 =	sadd.s32 $0x10, s9;
	v5 =	vadd.s32 v0, v5  }
0x106: {  	v6 =	vmov s1;
	v5 =	vshll.u32 v5, $0x7  }
0x107: {  	v6 =	vmulhi.u32 $0x51EB851F, v6;
	v4 =	vand.u32 $0x7FFFFF, v4;
	v5 =	vand.u32 $0xFFFFFF00, v5  }
0x108: {  	v5 =	vadd.s32 v5, v4  }
0x109: {  	v4 =	vshrl.u32 v6, $0x7;
	v5 =	vadd.s32 v2, v5  }
0x10a: {  	v6 =	vmul.u32 $0x1FFFE70, v4;
	_ =	sdelay $0x1  }
0x10b: {  	s17 =	sadd.s32 $0x10, s1;
	v6 =	vadd.s32 s1, v6  }
0x10c: {  	v7 =	vmov s17;
	v8 =	vadd.s32 v0, v6  }
0x10d: {  	s16 =	simm.s32 $0x40;
	s24 =	simm.s32 $0x80;
	s14 =	simm.s32 $0xC0;
	v6 =	vmulhi.u32 $0x51EB851F, v7;
	v7 =	vshll.u32 v8, $0x7;
	v5 =	vld.idx.msk [tilespmem:v5+s3+$0x0], $0xffff  }
.LBB2_18:
0x10e: {  	p0 =	sne.s32 s14, $0x3C0;
	v7 =	vand.u32 $0xFFFFFF00, v7;
	v4 =	vand.u32 $0x7FFFFF, v4  }
0x10f: {  	v7 =	vadd.s32 v7, v4  }
0x110: {  	v4 =	vshrl.u32 v6, $0x7;
	v8 =	vadd.s32 v2, v7  }
.Ltmp13:
0x111: {  	v6 =	vmul.u32 $0x1FFFE70, v4;
	(pc) =	sbr.rel @p0 .LBB2_18-.Ltmp13, $4  }
0x112: {  	_ = 	snop  }
0x113: {  	s1 =	sshra.s32 s22, $0x2;
	s22 =	smov.u32 s16;
	v6 =	vadd.s32 s17, v6;
	s17 =	sadd.s32 $0x10, s17;
	v5 =	vadd.s32 v3, v5  }
0x114: {  	s16 =	smov.u32 s24;
	s24 =	smov.u32 s14;
	v7 =	vmov s17;
	v9 =	vadd.s32 v0, v6;
	[tilespmem:s1+$0xCA00] =	vst v5  }
0x115: {  	s14 =	sadd.s32 $0x40, s14;
	v6 =	vmulhi.u32 $0x51EB851F, v7;
	v7 =	vshll.u32 v9, $0x7;
	v5 =	vld.idx.msk [tilespmem:v8+s3+$0x0], $0xffff  }
0x116: {  	v7 =	vand.u32 $0xFFFFFF00, v7;
	v4 =	vand.u32 $0x7FFFFF, v4  }
0x117: {  	v4 =	vadd.s32 v7, v4;
	v6 =	vshrl.u32 v6, $0x7  }
0x118: {  	v4 =	vadd.s32 v2, v4;
	v63 =	vmul.u32 $0x1FFFE70, v6;
	_ =	sdelay $0x1  }
0x119: {  	v7 =	vadd.s32 s17, v63  }
0x11a: {  	s1 =	sshra.s32 s22, $0x2;
	v5 =	vadd.s32 v3, v5;
	v7 =	vadd.s32 v0, v7  }
0x11b: {  	[tilespmem:s1+$0xCA00] =	vst v5;
	v5 =	vshll.u32 v7, $0x7  }
0x11c: {  	v6 =	vand.u32 $0x7FFFFF, v6;
	v4 =	vld.idx.msk [tilespmem:v4+s3+$0x0], $0xffff;
	v5 =	vand.u32 $0xFFFFFF00, v5  }
0x11d: {  	v5 =	vadd.s32 v5, v6  }
0x11e: {  	v5 =	vadd.s32 v2, v5;
	_ =	sdelay $0x2  }
0x11f: {  	s17 =	sshra.s32 s16, $0x2;
	v4 =	vadd.s32 v3, v4  }
0x120: {  	[tilespmem:s17+$0xCA00] =	vst v4  }
0x121: {  	v4 =	vld.idx.msk [tilespmem:v5+s3+$0x0], $0xffff;
	_ =	sdelay $0x4  }
0x122: {  	s22 =	sshra.s32 s24, $0x2;
	v4 =	vadd.s32 v3, v4  }
0x123: {  	[tilespmem:s22+$0xCA00] =	vst v4  }
0x124: {  	_ =	swait.ge [sflag:s0], $0x4000  }
.Ltmp14:
0x125: {  	[sflag:s0] =	ssyncset.done $0x0;
	(pc) =	sbr.rel .LBB2_21-.Ltmp14, $4  }
0x126: {  	s24 =	simm.s32 $0xCA00;
	[sflag:s0] =	ssyncadd.s32 $0xFFFFC000  }
0x127: {  	[tilespmem:s23], [sflag:$0x3] =	stream.indirect.gather [hbm4b:s4+s13], $0x40, s24, s13, $0xb8;
	[tilespmem:$0x18B00] =	vst v63  }
0x128: {  	s25 =	simm.s32 $0xCA80;
	s14 =	simm.s32 $0x16B00  }
0x129: {  	[tilespmem:s14], [sflag:$0x3] =	stream.indirect.gather [hbm4b:s4+s13], $0x40, s25, s13, $0xb8;
	[tilespmem:$0x18B00] =	vst v63  }
.LBB2_23:
0x12a: {  	_ =	sfence.sel $0x180000  }
0x12b: {  	[bflag:$0x0] =	sbarrier.arrive $0xFFFF  }
0x12c: {  	_ =	strace $0x90000047  }
0x12d: {  	s0 =	stileid.u32;
	[bflag:$0x2] =	sbarrier.arrive $0xFFFF  }
0x12e: {  	p0 =	sne.s32 s0, $0x0;
	s0 =	rddreg [dreg:$0x3]  }
0x12f: {  	s0 =	sadd.s32 @!p0 $0x100000, s0  }
0x130: {  	[sflag:s0] =	ssyncadd.tile.s32 @!p0 $0x1;
	_ =	shalt  }
.Lfunc_end2:
_tile_overlayer_lowered:
.L_overlay_start_2:
0x131: {  	(tag) =	ssettag $0x2  }
0x132: {  	s0 =	rddreg [dreg:$0x0];
	s2 =	stileid.u32  }
0x133: {  	s1 =	rddreg [dreg:$0x1];
	p0 =	sne.s32 s2, $0x0  }
0x134: {  	s3 =	rddreg [dreg:$0x2];
	[bflag:$0x3] =	sbarrier.arrive $0xFFFF;
	s2 =	simm.s32 @!p0 $0x1C07  }
0x135: {  	[timem:s3], [sflag:s2] =	dma.local @!p0 [hbm:s0], s1  }
0x136: {  	s0 =	simm.s32 @!p0 $0x7  }
0x137: {  	_ =	swait.ge @!p0 [sflag:s0], s1  }
0x138: {  	s1 =	ssub.s32 @!p0 $0x0, s1;
	[sflag:s0] =	ssyncset.done @!p0 $0x0  }
0x139: {  	[sflag:s0] =	ssyncadd.s32 @!p0 s1  }
0x13a: {  	[bflag:$0x3] =	sbarrier.arrive $0xFFFF  }
0x13b: {  	_ =	shalt  }

// kernel: sparse-core-data-format-call.cloned.1.call-start
scs
called_computation_lowered:
.L_overlay_start_0:
0x0: {  	s2 =	sld [smem:$0x3FD9]  }
0x1: {  	s3 =	sld [smem:$0x3FFE];
	_ =	sdelay $0x1  }
0x2: {  	s1 =	srdreg.scid  }
0x3: {  	s0 =	sand.u32 $0x1, s1  }
0x4: {  	s18 =	sshll.u32 s0, $0xA;
	s2 =	sadd.s32 s3, s2  }
0x5: {  	s2 =	sadd.s32 s2, s18  }
0x6: {  	[smem:$0x3FC6] =	sst s2  }
0x7: {  	_ = 	snop  }
0x8: {  	s2 =	sld [smem:$0x3FD0];
	(tm) =	ssettm $0x1  }
0x9: {  	s19 =	sld [smem:$0x3FFB];
	_ =	sdelay $0x3  }
0xa: {  	_ =	strace s19  }
0xb: {  	s3 =	sld [smem:$0x3FFC];
	_ =	sdelay $0x3  }
0xc: {  	_ =	strace s3  }
0xd: {  	s3 =	sld [smem:$0x3FFD];
	_ =	sdelay $0x3  }
0xe: {  	_ =	strace s3  }
0xf: {  	_ =	strace $0x8FFFFFFF  }
0x10: {  	s20 =	sld [smem:$0x3FDB];
	_ =	sdelay $0x1  }
0x11: {  	s4 =	simm.s32 $_scs_section_size  }
0x12: {  	s5 =	simm.s32 $_size__tile_overlayer_lowered;
	s6 =	simm.s32 $_tile_overlayer_lowered  }
0x13: {  	s23 =	simm.s32 $0x1BFF;
	s22 =	sshll.u32 s6, $0x1;
	s3 =	sadd.s32 s4, s20  }
0x14: {  	s7 =	simm.s32 $0x0;
	s21 =	sshll.u32 s5, $0x1;
	s5 =	sadd.s32 s22, s3  }
0x15: {  	[timem:s7], [sflag:s23] =	dma.local [hbm:s5], s21  }
0x16: {  	_ =	swait.ge [sflag:s23], s21  }
0x17: {  	s4 =	ssub.s32 $0x0, s21;
	[sflag:s23] =	ssyncset.done $0x0  }
0x18: {  	[sflag:s23] =	ssyncadd.s32 s4;
	_ =	sdelay $0x1  }
0x19: {  	s24 =	simm.s32 $0x1B8B  }
0x1a: {  	_ =	swait.ge [sflag:s24], $0x1  }
0x1b: {  	[sflag:s24] =	ssyncset.done $0x0  }
0x1c: {  	s26 =	simm.s32 $0x1B8E;
	s25 =	sld [smem:$0x3FFE];
	[sflag:s24] =	ssyncadd.s32 $0xFFFFFFFF  }
0x1d: {  	s27 =	simm.s32 $execute0_lowered;
	[smem:$0x3FD2] =	sst s26  }
0x1e: {  	s5 =	sshll.u32 s27, $0x1;
	_ =	strace $0x80000049;
	[dreg:$0x1] =	wrdreg $0xFFFFFFFF  }
0x1f: {  	s28 =	simm.s32 $_size_execute0_lowered;
	s3 =	sadd.s32 s3, s5;
	[dreg:$0x0] =	wrdreg $0x0  }
0x20: {  	s5 =	sshll.u32 s28, $0x1;
	[dreg:$0x2] =	wrdreg s3  }
0x21: {  	[dreg:$0x3] =	wrdreg s5  }
0x22: {  	[dreg:$0x4] =	wrdreg $0xC0  }
0x23: {  	_ =	task [dreg:s7], $0x5FFFF  }
0x24: {  	[dreg:$0x1] =	wrdreg $0xFFFFFFFF  }
0x25: {  	[dreg:$0x0] =	wrdreg $0x60  }
0x26: {  	[dreg:$0x2] =	wrdreg s25  }
0x27: {  	[dreg:$0x3] =	wrdreg s2  }
0x28: {  	[dreg:$0x4] =	wrdreg $0x9  }
0x29: {  	_ =	task.clear_ibuf [dreg:s7], $0x5FFFF;
	_ =	strace $0x90000049  }
0x2a: {  	s29 =	simm.s32 $0x9;
	_ =	strace $0x8000004B  }
0x2b: {  	_ =	swait.ge [sflag:s29], $0x1  }
0x2c: {  	[sflag:s29] =	ssyncadd.s32 $0xFFFFFFFF  }
0x2d: {  	_ =	strace $0x9000004B  }
0x2e: {  	_ =	sfence  }
0x2f: {  	s30 =	sld [smem:$0x0];
	_ =	sdelay $0x2  }
0x30: {  	s31 =	sshll.u32 s1, $0xD;
	s1 =	sshrl.u32 s1, $0x2  }
0x31: {  	s3 =	sand.u32 $0x4000, s31;
	s1 =	sadd.s32 s1, s30  }
0x32: {  	s0 =	sor.u32 s3, s0;
	s1 =	sshll.u32 s1, $0x11  }
0x33: {  	s0 =	sor.u32 s1, s0  }
0x34: {  	s0 =	sadd.s32 $0x8F2B, s0  }
0x35: {  	[sflag:s0] =	ssyncadd.remote.s32 $0x1  }
0x36: {  	_ =	sfence.sel $0xFFFF  }
0x37: {  	[dreg:$0x0] =	wrdreg $0xFFFFFFFF;
	(pc) =	sbr.abs _section_cstart, $3  }
0x38: {  	[dreg:$0x1] =	wrdreg $0xFFFFFFFF  }
0x39: {  	_ =	task.clear_ibuf [dreg:s7], $0x2FFFF;
	_ =	strace $0x9FFFFFFF  }
0x3a: {  	(tm) =	ssettm $0x7FFFFFFF  }
0x3b: {  	_ =	shalt  }
tec
execute0_lowered:
.L_overlay_start_1:
0x0: {  	(tag) =	ssettag $0x1  }
0x1: {  	s0 =	srdreg.scid  }
0x2: {  	s1 =	sshll.u32 s0, $0x4  }
0x3: {  	s4 =	rddreg [dreg:$0x0];
	s0 =	stileid.u32;
	s1 =	sand.u32 $0x10, s1  }
0x4: {  	s2 =	rddreg [dreg:$0x1];
	s7 =	simm.s32 $0x1;
	s1 =	sor.u32 s0, s1  }
0x5: {  	s8 =	simm.s32 $0x2;
	s11 =	simm.s32 $0x0;
	s3 =	sshll.u32 s1, $0x7  }
0x6: {  	s10 =	simm.s32 $0x0;
	s4 =	sadd.s32 $0x800, s4;
	s6 =	ssub.s32 $0x190000, s3  }
.Ltmp0:
0x7: {  	s1 =	rddreg [dreg:$0x2];
	s5 =	sand.u32 $0xF80, s6;
	(pc) =	sbr.rel .LBB1_1-.Ltmp0, $4  }
0x8: {  	_ =	strace $0x8000004A;
	s9 =	smov.u32 s3;
	p0 =	sne.s32 s5, $0x0  }
0x9: {  	s6 =	sshrl.u32 s6, $0xC;
	s5 =	simm.s32 $0x1;
	s7 =	simm.s32 @!p0 $0x0  }
0xa: {  	[sflag:s5] =	ssyncpa.u1 $0x0;
	p0 =	por $0x0, $0x0;
	s6 =	sadd.s32 s7, s6  }
0xb: {  	[sflag:s8] =	ssyncpa.u1 $0x0;
	s8 =	simm.s32 $0xC80000;
	s7 =	sadd.s32 $0x1, s6  }
.LBB1_4:
0xc: {  	s14 =	sshll.u32 s11, $0x3  }
0xd: {  	s30 =	sand.u32 $0x7F, s11;
	s15 =	sand.u32 $0xFFFFFC00, s14  }
0xe: {  	s11 =	sor.u32 s30, s15  }
0xf: {  	s15 =	smulhi.u32 $0x51EB851F, s11  }
0x10: {  	s14 =	smulhi.u32 $0x51EB851F, s14  }
0x11: {  	s15 =	sshrl.u32 s15, $0x13  }
0x12: {  	s14 =	sshrl.u32 s14, $0x13;
	s15 =	smul.u32 $0x190000, s15  }
0x13: {  	s14 =	sand.u32 $0x3F, s14  }
0x14: {  	s14 =	smul.u32 $0x32000, s14;
	s11 =	ssub.s32 s11, s15  }
0x15: {  	[tilespmem:s13+$0x810 ss:$0x81] =	vst.msk $0xffff, v2;
	s15 =	sand.u32 $0x7, s11  }
0x16: {  	[tilespmem:s13+$0x1020 ss:$0x81] =	vst.msk $0xffff, v0;
	s14 =	sadd.s32 s2, s14;
	s11 =	sshrl.u32 s11, $0x3;
	s15 =	sshll.u32 s15, $0x12  }
0x17: {  	[tilespmem:s13+$0x0 ss:$0x81] =	vst.msk $0xffff, v1;
	s11 =	sadd.s32 s11, s14;
	s31 =	sor.u32 $0x400, s15  }
0x18: {  	[hbm4b:s11+s31] =	stream.strided.scatter [tilespmem:s12], [sflag:$0x2], $0x2000, s8, s31, $0x20;
	[tilespmem:$0x8080] =	vst v63  }
.LBB1_5:
0x19: {  	s13 =	sadd.s32 $0x1000, s9  }
0x1a: {  	p2 =	sgt.s32 s13, $0x18FFFF  }
0x1b: {  	s13 =	smov.u32 @p2 s3;
	p2 =	sne.s32 s10, s7  }
.Ltmp1:
0x1c: {  	p1 =	slt.u32 s10, $0x2;
	(pc) =	sbr.rel @!p2 .LBB1_6-.Ltmp1, $4  }
0x1d: {  	s12 =	simm.s32 @!p1 $0x2  }
0x1e: {  	s14 =	sadd.s32 $0x1, s10;
	_ =	swait.ge @!p1 [sflag:s12], $0x2000  }
0x1f: {  	s11 =	smov.u32 s9;
	p0 =	por !p0, !p0;
	[sflag:s12] =	ssyncset.done @!p1 $0x0  }
0x20: {  	s10 =	smov.u32 s14;
	s9 =	smov.u32 s13;
	[sflag:s12] =	ssyncadd.s32 @!p1 $0xFFFFE000  }
.LBB1_1:
0x21: {  	p1 =	sge.u32 s10, s6  }
0x22: {  	s12 =	sand.u32 @!p1 $0x1FFFFFF, s9  }
0x23: {  	s13 =	smulhi.u32 @!p1 $0x147AE15, s12;
	_ =	sdelay $0x1  }
0x24: {  	s13 =	sshrl.u32 @!p1 s13, $0xD  }
0x25: {  	s13 =	smul.u32 @!p1 $0x190000, s13;
	_ =	sdelay $0x1  }
0x26: {  	s31 =	sadd.s32 $0xFFFFFFFF, s10;
	s14 =	sxor.u32 @!p1 $0xFFFFFFFF, s10;
	s12 =	ssub.s32 @!p1 s12, s13  }
0x27: {  	s15 =	simm.s32 @!p1 $0x80;
	s14 =	sshll.u32 @!p1 s14, $0xD;
	s12 =	sshll.u32 @!p1 s12, $0x4  }
0x28: {  	s13 =	sand.u32 @!p1 $0x2000, s14;
	s14 =	simm.s32 @!p1 $0x40;
	s12 =	sadd.s32 @!p1 s4, s12  }
0x29: {  	[tilespmem:s13], [sflag:$0x1] =	stream.strided.gather @!p1 [hbm4b:s12+s14], $0x2000, s15, s14, $0x38;
	[tilespmem:$0x8080] =	vst v63  }
0x2a: {  	p1 =	sge.u32 s31, s6  }
.Ltmp2:
0x2b: {  	_ = 	snop;
	(pc) =	sbr.rel @p1 .LBB1_5-.Ltmp2, $1  }
0x2c: {  	_ =	sdelay $0x3  }
0x2d: {  	s12 =	simm.s32 $0x1  }
0x2e: {  	_ =	swait.ge [sflag:s5], $0x2000;
	s12 =	simm.s32 @!p0 $0x0  }
0x2f: {  	[sflag:s5] =	ssyncset.done $0x0;
	s13 =	sshll.u32 s12, $0xD  }
0x30: {  	[sflag:s5] =	ssyncadd.s32 $0xFFFFE000;
	s16 =	sor.u32 $0x20, s13  }
0x31: {  	s12 =	smul.u32 $0x8100, s12;
	v3 =	vld [tilespmem:s16+$0x10]  }
0x32: {  	s30 =	sand.u32 $0x1, s10;
	v2 =	vld [tilespmem:s16+$0xFFFFFFF0]  }
0x33: {  	s13 =	smul.u32 $0x8100, s30;
	s12 =	sshrl.u32 s12, $0x2;
	v0 =	vld [tilespmem:s16+$0x0]  }
0x34: {  	v1 =	vld [tilespmem:s16+$0xFFFFFFE0];
	s14 =	sor.u32 $0x4000, s12  }
0x35: {  	s31 =	sshrl.u32 s13, $0x2;
	s13 =	sadd.s32 $0x0, s14  }
0x36: {  	s15 =	simm.s32 $0x4;
	s16 =	sadd.s32 $0x40, s16;
	s12 =	sor.u32 $0x4000, s31;
	[tilespmem:s13+$0x1830 ss:$0x81] =	vst.msk $0xffff, v3  }
.LBB1_3:
0x37: {  	v3 =	vld [tilespmem:s16+$0x10];
	p1 =	sne.s32 s15, $0x1FC;
	[tilespmem:s13+$0x810 ss:$0x81] =	vst.msk $0xffff, v2;
	s17 =	smov.u32 s15;
	s15 =	sadd.s32 $0x4, s15  }
.Ltmp3:
0x38: {  	v2 =	vld [tilespmem:s16+$0xFFFFFFF0];
	[tilespmem:s13+$0x1020 ss:$0x81] =	vst.msk $0xffff, v0;
	(pc) =	sbr.rel @p1 .LBB1_3-.Ltmp3, $4  }
0x39: {  	v0 =	vld [tilespmem:s16+$0x0];
	[tilespmem:s13+$0x0 ss:$0x81] =	vst.msk $0xffff, v1  }
0x3a: {  	s13 =	sshra.s32 s17, $0x2;
	v1 =	vld [tilespmem:s16+$0xFFFFFFE0]  }
0x3b: {  	s13 =	sadd.s32 s13, s14  }
0x3c: {  	s16 =	sadd.s32 $0x40, s16;
	[tilespmem:s13+$0x1830 ss:$0x81] =	vst.msk $0xffff, v3  }
.Ltmp4:
0x3d: {  	_ = 	snop;
	(pc) =	sbr.rel .LBB1_4-.Ltmp4, $1  }
0x3e: {  	_ =	sdelay $0x3  }
.LBB1_6:
0x3f: {  	_ =	sfence.sel $0x180000  }
0x40: {  	s2 =	simm.s32 $0x1;
	[bflag:$0x0] =	sbarrier.arrive $0xFFFF  }
0x41: {  	s31 =	simm.s32 $0x2;
	[sflag:s2] =	ssyncpa.u1 $0x1  }
0x42: {  	[sflag:s31] =	ssyncpa.u1 $0x1  }
0x43: {  	p0 =	sne.s32 s0, $0x0;
	_ =	strace $0x9000004A  }
0x44: {  	s0 =	sadd.s32 @!p0 $0x100000, s1;
	[bflag:$0x2] =	sbarrier.arrive $0xFFFF  }
0x45: {  	[sflag:s0] =	ssyncadd.tile.s32 @!p0 $0x1;
	_ =	shalt  }
.Lfunc_end1:
_tile_overlayer_lowered:
.L_overlay_start_2:
0x46: {  	(tag) =	ssettag $0x2  }
0x47: {  	s0 =	rddreg [dreg:$0x0];
	s2 =	stileid.u32  }
0x48: {  	s1 =	rddreg [dreg:$0x1];
	p0 =	sne.s32 s2, $0x0  }
0x49: {  	s3 =	rddreg [dreg:$0x2];
	[bflag:$0x3] =	sbarrier.arrive $0xFFFF;
	s2 =	simm.s32 @!p0 $0x1C01  }
0x4a: {  	[timem:s3], [sflag:s2] =	dma.local @!p0 [hbm:s0], s1  }
0x4b: {  	s0 =	simm.s32 @!p0 $0x1  }
0x4c: {  	_ =	swait.ge @!p0 [sflag:s0], s1  }
0x4d: {  	s1 =	ssub.s32 @!p0 $0x0, s1;
	[sflag:s0] =	ssyncset.done @!p0 $0x0  }
0x4e: {  	[sflag:s0] =	ssyncadd.s32 @!p0 s1  }
0x4f: {  	[bflag:$0x3] =	sbarrier.arrive $0xFFFF  }
0x50: {  	_ =	shalt  }

</sc_bundles>
